<compile_context>
chip_gen: v7x
topology: tpu7x:2x2x1
jax: 0.10.2.dev20260603
libtpu: 0.0.44.dev20260713+nightly
codegen_flags: <defaults>
</compile_context>

<pallas_src>
import dataclasses
import functools

import jax
import jax.numpy as jnp
from jax import lax
from jax.experimental import pallas as pl
from jax.experimental.pallas import tpu as pltpu
from jax.experimental.pallas import tpu_sc as plsc

N = 10000
E = 640000
HID = 100
OUT = 64
NL = 6
NG = 256

NP = 10240
HP = 128
HH = 32
E_TOT = E + N
EP = 655360
EROWS = EP // 128
TROWS = EROWS // 32
NSL = NP // 16
PG = 272

_MESH = plsc.VectorSubcoreMesh(
    core_axis_name="c", subcore_axis_name="s", num_cores=2, num_subcores=16)

_SC_PARAMS = pltpu.CompilerParams()
if "needs_layout_passes" in pltpu.CompilerParams.__dataclass_fields__:
    _SC_PARAMS = dataclasses.replace(_SC_PARAMS, needs_layout_passes=False)
if "use_tc_tiling_on_sc" in pltpu.CompilerParams.__dataclass_fields__:
    _SC_PARAMS = dataclasses.replace(_SC_PARAMS, use_tc_tiling_on_sc=False)
_SC_PARAMS_B = dataclasses.replace(_SC_PARAMS, internal_scratch_in_bytes=64 * 1024)

_ES_BLOCK = 6400


def _es_kernel(ea_ref, v_ref, out_ref):
    out_ref[...] = jax.lax.dot_general(
        ea_ref[...], v_ref[...], (((1,), (0,)), ((), ())),
        preferred_element_type=jnp.float32)


def _edge_scores(edge_attr, v_all):
    return pl.pallas_call(
        _es_kernel,
        grid=(E // _ES_BLOCK,),
        in_specs=[
            pl.BlockSpec((_ES_BLOCK, HID), lambda i: (i, 0)),
            pl.BlockSpec((HID, 8), lambda i: (0, 0)),
        ],
        out_specs=pl.BlockSpec((_ES_BLOCK, 8), lambda i: (i, 0)),
        out_shape=jax.ShapeDtypeStruct((E, 8), jnp.float32),
    )(edge_attr, v_all)



_NB = 2000


def _hw_kernel(h_ref, w_ref, a2_ref, hw_ref, s2_ref):
    hw = jax.lax.dot_general(h_ref[...], w_ref[...], (((1,), (0,)), ((), ())),
                             preferred_element_type=jnp.float32)
    hw_ref[...] = hw
    s2_ref[...] = jax.lax.dot_general(hw, a2_ref[...], (((1,), (0,)), ((), ())),
                                      preferred_element_type=jnp.float32)


def _hw_call(h, w, a2):
    return pl.pallas_call(
        _hw_kernel,
        grid=(N // _NB,),
        in_specs=[
            pl.BlockSpec((_NB, HID), lambda i: (i, 0)),
            pl.BlockSpec((HID, HID), lambda i: (0, 0)),
            pl.BlockSpec((HID, 8), lambda i: (0, 0)),
        ],
        out_specs=[
            pl.BlockSpec((_NB, HID), lambda i: (i, 0)),
            pl.BlockSpec((_NB, 8), lambda i: (i, 0)),
        ],
        out_shape=[jax.ShapeDtypeStruct((N, HID), jnp.float32),
                   jax.ShapeDtypeStruct((N, 8), jnp.float32)],
    )(h, w, a2)


def _ln_kernel(o_ref, res_ref, g_ref, b_ref, h_ref):
    o = o_ref[...]
    mu = jnp.mean(o, axis=-1, keepdims=True)
    var = jnp.mean((o - mu) ** 2, axis=-1, keepdims=True)
    o = (o - mu) / jnp.sqrt(var + 1e-5) * g_ref[...] + b_ref[...]
    h_ref[...] = jnp.where(o > 0, o, jnp.exp(o) - 1.0) + res_ref[...]


def _ln_call(o, res, g, b):
    return pl.pallas_call(
        _ln_kernel,
        grid=(N // _NB,),
        in_specs=[
            pl.BlockSpec((_NB, HID), lambda i: (i, 0)),
            pl.BlockSpec((_NB, HID), lambda i: (i, 0)),
            pl.BlockSpec((1, HID), lambda i: (0, 0)),
            pl.BlockSpec((1, HID), lambda i: (0, 0)),
        ],
        out_specs=pl.BlockSpec((_NB, HID), lambda i: (i, 0)),
        out_shape=jax.ShapeDtypeStruct((N, HID), jnp.float32),
    )(o, res, g, b)


def _fc_kernel(sums_ref, cnt_ref, w_ref, b_ref, out_ref):
    pooled = sums_ref[...] / jnp.maximum(cnt_ref[...], 1.0)
    out_ref[...] = jax.lax.dot_general(
        pooled, w_ref[...], (((1,), (0,)), ((), ())),
        preferred_element_type=jnp.float32) + b_ref[...]


def _fc_call(sums, cnt, w, b):
    return pl.pallas_call(
        _fc_kernel,
        in_specs=[
            pl.BlockSpec((NG, HID), lambda: (0, 0)),
            pl.BlockSpec((NG, 1), lambda: (0, 0)),
            pl.BlockSpec((HID, OUT), lambda: (0, 0)),
            pl.BlockSpec((1, OUT), lambda: (0, 0)),
        ],
        out_specs=pl.BlockSpec((NG, OUT), lambda: (0, 0)),
        out_shape=jax.ShapeDtypeStruct((NG, OUT), jnp.float32),
    )(sums, cnt, w, b)



def _ka_body(dst_h, src_h, es_h, si_h, sj_h, zn_h,
             ex_h, asum_h,
             siv, sjv, dstb, srcb, esb, idxrow, valrow, asum_sh, asems):
    c = lax.axis_index("c")
    s = lax.axis_index("s")
    wid = s * 2 + c
    pltpu.sync_copy(si_h, siv)
    pltpu.sync_copy(sj_h, sjv)
    pltpu.sync_copy(zn_h.at[pl.ds(s * NSL, NSL)], asum_sh.at[pl.ds(s * NSL, NSL)])
    plsc.subcore_barrier()
    r0 = wid * TROWS
    pltpu.sync_copy(dst_h.at[pl.ds(r0, TROWS)], dstb)
    pltpu.sync_copy(src_h.at[pl.ds(r0, TROWS)], srcb)
    pltpu.sync_copy(es_h.at[pl.ds(r0, TROWS)], esb)

    @pl.loop(0, TROWS)
    def _rows(r):
        @pl.loop(0, 8, unroll=8)
        def _grp(g):
            sl = pl.ds(g * 16, 16)
            d16 = dstb[r, sl]
            s16 = srcb[r, sl]
            t = plsc.load_gather(siv, [d16]) + plsc.load_gather(sjv, [s16]) + esb[r, sl]
            t = jnp.where(t > 0, t, t * jnp.float32(0.2))
            esb[r, sl] = jnp.exp(t)

    pltpu.sync_copy(esb, ex_h.at[pl.ds(r0, TROWS)])

    @pl.loop(0, TROWS // 2)
    def _scat(r2):
        for p in range(2):
            r = r2 * 2 + p

            @pl.when(r2 > 0)
            def _w():
                pltpu.make_async_copy(valrow.at[p], asum_sh.at[idxrow.at[p]],
                                      asems.at[p]).wait()

            @pl.loop(0, 8, unroll=8)
            def _cp(g):
                sl = pl.ds(g * 16, 16)
                idxrow[p, sl] = dstb[r, sl]
                valrow[p, sl] = esb[r, sl]

            pltpu.async_copy(valrow.at[p], asum_sh.at[idxrow.at[p]],
                             asems.at[p], add=True)

    pltpu.make_async_copy(valrow.at[0], asum_sh.at[idxrow.at[0]], asems.at[0]).wait()
    pltpu.make_async_copy(valrow.at[1], asum_sh.at[idxrow.at[1]], asems.at[1]).wait()
    plsc.subcore_barrier()

    @pl.when(s == 0)
    def _out():
        pltpu.sync_copy(asum_sh, asum_h.at[c])


@jax.jit
def _pass_a(dst2, src2, es2, si_p, sj_p, zeros_n):
    fn = pl.kernel(
        _ka_body,
        out_type=(jax.ShapeDtypeStruct((EROWS, 128), jnp.float32),
                  jax.ShapeDtypeStruct((2, NP), jnp.float32)),
        mesh=_MESH,
        compiler_params=_SC_PARAMS,
        scratch_types=[
            pltpu.VMEM((NP,), jnp.float32),
            pltpu.VMEM((NP,), jnp.float32),
            pltpu.VMEM((TROWS, 128), jnp.int32),
            pltpu.VMEM((TROWS, 128), jnp.int32),
            pltpu.VMEM((TROWS, 128), jnp.float32),
            pltpu.VMEM((2, 128), jnp.int32),
            pltpu.VMEM((2, 128), jnp.float32),
            pltpu.VMEM_SHARED((NP,), jnp.float32),
            pltpu.SemaphoreType.DMA((2,)),
        ],
    )
    return fn(dst2, src2, es2, si_p, sj_p, zeros_n)



def _kb_body(V, dst_h, src_h, ex_h, ra_h, hw_h, zb_h,
             out_h,
             rav, dstb, srcb, exb, rows, srow4, drow4, outacc,
             gsems, ssems):
    c = lax.axis_index("c")
    s = lax.axis_index("s")
    gsem = [gsems.at[i] for i in range(4)]
    ssem = [ssems.at[i] for i in range(2)]
    pltpu.sync_copy(ra_h, rav)
    pltpu.sync_copy(zb_h.at[pl.ds(s * NSL, NSL)], outacc.at[pl.ds(s * NSL, NSL)])
    plsc.subcore_barrier()
    roff = (2 * V + c) * NP

    def stage_idx(cc, b):
        @pl.loop(0, 8, unroll=8)
        def _cp(g):
            sl = pl.ds(g * 16, 16)
            srow4[b, sl] = srcb[cc, sl]

    def issue_gather(cc, b):
        stage_idx(cc, b)
        pltpu.async_copy(hw_h.at[srow4.at[b]], rows.at[b], gsem[b])

    def wait_gather(b):
        pltpu.make_async_copy(hw_h.at[srow4.at[b]], rows.at[b], gsem[b]).wait()

    def scale(cc, b):
        @pl.loop(0, 8, unroll=8)
        def _cp(g):
            sl = pl.ds(g * 16, 16)
            drow4[b, sl] = dstb[cc, sl]

        @pl.loop(0, 128, unroll=8)
        def _scale(j):
            a = plsc.load_gather(exb.at[cc], [jnp.full((16,), j, jnp.int32)])
            for q in range(HH // 16):
                sl = pl.ds(q * 16, 16)
                rows[b, j, sl] = rows[b, j, sl] * a

    def issue_scatter(b, p):
        pltpu.async_copy(rows.at[b], outacc.at[drow4.at[b]], ssem[p], add=True)

    def wait_scatter(p):
        pltpu.make_async_copy(rows.at[0], outacc.at[drow4.at[0]], ssem[p]).wait()

    for half in range(2):
        r0 = s * (2 * TROWS) + half * TROWS
        pltpu.sync_copy(dst_h.at[pl.ds(r0, TROWS)], dstb)
        pltpu.sync_copy(src_h.at[pl.ds(r0, TROWS)], srcb)
        pltpu.sync_copy(ex_h.at[pl.ds(r0, TROWS)], exb)

        @pl.loop(0, TROWS)
        def _alpha(r):
            @pl.loop(0, 8, unroll=8)
            def _grp(g):
                sl = pl.ds(g * 16, 16)
                exb[r, sl] = exb[r, sl] * plsc.load_gather(rav, [dstb[r, sl]])
                srcb[r, sl] = srcb[r, sl] + roff

        issue_gather(0, 0)
        issue_gather(1, 1)

        @pl.loop(0, TROWS // 4)
        def _grp(g):
            for bi in range(4):
                cc = g * 4 + bi
                wait_gather(bi)
                scale(cc, bi)
                if bi < 2:
                    @pl.when(g > 0)
                    def _w():
                        wait_scatter(bi % 2)
                else:
                    wait_scatter(bi % 2)
                issue_scatter(bi, bi % 2)
                nxt = jnp.minimum(cc + 2, TROWS - 1)
                issue_gather(nxt, (bi + 2) % 4)

        wait_scatter(0)
        wait_scatter(1)
        wait_gather(0)
        wait_gather(1)

    plsc.subcore_barrier()
    pltpu.sync_copy(outacc.at[pl.ds(s * NSL, NSL)],
                    out_h.at[c, pl.ds(s * NSL, NSL)])


@functools.partial(jax.jit, static_argnums=0)
def _pass_b(V, dst2, src2, ex2, rasum, hw_cat, zeros_b):
    fn = pl.kernel(
        functools.partial(_kb_body, V),
        out_type=jax.ShapeDtypeStruct((2, NP, HH), jnp.float32),
        mesh=_MESH,
        compiler_params=_SC_PARAMS_B,
        scratch_types=[
            pltpu.VMEM((NP,), jnp.float32),
            pltpu.VMEM((TROWS, 128), jnp.int32),
            pltpu.VMEM((TROWS, 128), jnp.int32),
            pltpu.VMEM((TROWS, 128), jnp.float32),
            pltpu.VMEM((4, 128, HH), jnp.float32),
            pltpu.VMEM((4, 128), jnp.int32),
            pltpu.VMEM((4, 128), jnp.int32),
            pltpu.VMEM_SHARED((NP, HH), jnp.float32),
            pltpu.SemaphoreType.DMA((4,)),
            pltpu.SemaphoreType.DMA((2,)),
        ],
    )
    return fn(dst2, src2, ex2, rasum, hw_cat, zeros_b)



def _kc_body(h_h, b_h, zp_h, zc_h, one_h,
             pool_h, cnt_h,
             bt, ones_v, rowsb, pool_sh, cnt_sh):
    c = lax.axis_index("c")
    s = lax.axis_index("s")
    pltpu.sync_copy(b_h.at[pl.ds(s * 5, 5)], bt)
    pltpu.sync_copy(one_h, ones_v)

    @pl.when(s == 0)
    def _zero():
        pltpu.sync_copy(zp_h, pool_sh)
        pltpu.sync_copy(zc_h, cnt_sh)

    plsc.subcore_barrier()

    for k in range(5):
        pltpu.sync_copy(h_h.at[pl.ds(s * 640 + k * 128, 128)], rowsb)
        pltpu.sync_copy(rowsb, pool_sh.at[bt.at[k]], add=True)
        pltpu.sync_copy(ones_v.at[0], cnt_sh.at[bt.at[k]], add=True)

    plsc.subcore_barrier()

    @pl.when(s == 0)
    def _out():
        pltpu.sync_copy(pool_sh, pool_h.at[c])
        pltpu.sync_copy(cnt_sh, cnt_h.at[c])


@jax.jit
def _pass_c(h_p, batch2, zeros_pool, zeros_cnt, ones_row):
    fn = pl.kernel(
        _kc_body,
        out_type=(jax.ShapeDtypeStruct((2, PG, HP), jnp.float32),
                  jax.ShapeDtypeStruct((2, PG), jnp.float32)),
        mesh=_MESH,
        compiler_params=_SC_PARAMS,
        scratch_types=[
            pltpu.VMEM((5, 128), jnp.int32),
            pltpu.VMEM((1, 128), jnp.float32),
            pltpu.VMEM((128, HP), jnp.float32),
            pltpu.VMEM_SHARED((PG, HP), jnp.float32),
            pltpu.VMEM_SHARED((PG,), jnp.float32),
        ],
    )
    return fn(h_p, batch2, zeros_pool, zeros_cnt, ones_row)



def _pad_rows(m, rows, cols):
    return jnp.pad(m, ((0, rows - m.shape[0]), (0, cols - m.shape[1])))


def kernel(x, edge_index, edge_attr, batch, emb, W, W_edge, a, ln_g, ln_b, fc_W, fc_b):
    n = x.shape[0]
    loops = jnp.arange(n, dtype=jnp.int32)
    pad_e = EP - E_TOT
    src = jnp.concatenate([edge_index[0].astype(jnp.int32), loops,
                           jnp.zeros((pad_e,), jnp.int32)])
    dst = jnp.concatenate([edge_index[1].astype(jnp.int32), loops,
                           jnp.full((pad_e,), N, jnp.int32)])
    dst2 = dst.reshape(EROWS, 128)
    src2 = src.reshape(EROWS, 128)

    a_j_all = a[:, HID:]
    v_all = jnp.einsum("lij,lj->il", W_edge, a_j_all)
    v_all = jnp.pad(v_all, ((0, 0), (0, 8 - NL)))
    es_all = _edge_scores(edge_attr, v_all)
    es_pad = jnp.concatenate([
        es_all[:, :NL],
        jnp.zeros((n, NL), jnp.float32),
        jnp.full((pad_e, NL), -1e30, jnp.float32),
    ], axis=0)
    es_stack = es_pad.T.reshape(NL, EROWS, 128)

    batch_pad = jnp.concatenate([batch.astype(jnp.int32),
                                 jnp.full((NP - n,), NG, jnp.int32)])
    batch2 = batch_pad.reshape(NP // 128, 128)

    zeros_n = jnp.zeros((NP,), jnp.float32)
    zeros_b = jnp.zeros((NP, HH), jnp.float32)
    zeros_pool = jnp.zeros((PG, HP), jnp.float32)
    zeros_cnt = jnp.zeros((PG,), jnp.float32)
    ones_row = jnp.ones((1, 128), jnp.float32)

    h = emb[x]
    for l in range(NL):
        res = h
        a2 = jnp.zeros((HID, 8), jnp.float32)
        a2 = a2.at[:, 0].set(a[l][:HID]).at[:, 1].set(a[l][HID:])
        hw, s2 = _hw_call(h, W[l], a2)
        si_p = jnp.pad(s2[:, 0], (0, NP - n))
        sj_p = jnp.pad(s2[:, 1], (0, NP - n))
        hw_p = _pad_rows(hw, NP, HP)
        hw_cat = hw_p.reshape(NP, 4, HH).transpose(1, 0, 2).reshape(4 * NP, HH)
        ex2, asum_part = _pass_a(dst2, src2, es_stack[l], si_p, sj_p, zeros_n)
        asum = asum_part[0] + asum_part[1]
        rasum = 1.0 / (asum + 1e-16)
        out_p0 = _pass_b(0, dst2, src2, ex2, rasum, hw_cat, zeros_b)
        out_p1 = _pass_b(1, dst2, src2, ex2, rasum, hw_cat, zeros_b)
        out = jnp.concatenate([out_p0[0], out_p0[1],
                               out_p1[0], out_p1[1]], axis=1)[:n, :HID]
        h = _ln_call(out, res, ln_g[l][None, :], ln_b[l][None, :])

    h_p = _pad_rows(h, NP, HP)
    pool_part, cnt_part = _pass_c(h_p, batch2, zeros_pool, zeros_cnt, ones_row)
    sums = pool_part[0][:NG, :HID]
    cnt = cnt_part[0][:NG]
    return _fc_call(sums, cnt[:, None], fc_W, fc_b[None, :])

# --- scband reference (transcript-rebuilt; emitter-appended) ---
"""Pipeline reference for scband-gatmodel-23880018165825 (READ-ONLY COPY).

The authoritative reference and input builder live on the scoring server;
editing this copy changes nothing except your own understanding.
"""

import jax, jax.numpy as jnp
import numpy as np

N = 10000
E = 640000
HID = 100
OUT = 64
NL = 6
NATOM = 100
NG = 256


def setup_inputs() -> dict:
    k = jax.random.key(0)
    ks = jax.random.split(k, 12)
    x = jax.random.randint(ks[0], (N,), 0, NATOM)
    edge_index = jax.random.randint(ks[1], (2, E), 0, N)
    edge_attr = jax.random.normal(ks[2], (E, HID), dtype=jnp.float32)
    batch = jnp.sort(jax.random.randint(ks[3], (N,), 0, NG))
    emb = jax.random.normal(ks[4], (NATOM, HID), dtype=jnp.float32) * 0.1
    W = jax.random.normal(ks[5], (NL, HID, HID), dtype=jnp.float32) * (1.0 / np.sqrt(HID))
    W_edge = jax.random.normal(ks[6], (NL, HID, HID), dtype=jnp.float32) * (1.0 / np.sqrt(HID))
    a = jax.random.normal(ks[7], (NL, 2 * HID), dtype=jnp.float32) * 0.1
    ln_g = jnp.ones((NL, HID), dtype=jnp.float32)
    ln_b = jnp.zeros((NL, HID), dtype=jnp.float32)
    fc_W = jax.random.normal(ks[8], (HID, OUT), dtype=jnp.float32) * 0.1
    fc_b = jnp.zeros((OUT,), dtype=jnp.float32)
    return {"x": x, "edge_index": edge_index, "edge_attr": edge_attr, "batch": batch,
            "emb": emb, "W": W, "W_edge": W_edge, "a": a, "ln_g": ln_g, "ln_b": ln_b,
            "fc_W": fc_W, "fc_b": fc_b}


def _forward(x, edge_index, edge_attr, batch, emb, W, W_edge, a, ln_g, ln_b, fc_W, fc_b):
    n = x.shape[0]
    loops = jnp.arange(n)
    # add_self_loops with fill_value=0 for edge_attr
    src = jnp.concatenate([edge_index[0], loops])
    dst = jnp.concatenate([edge_index[1], loops])
    h = emb[x]
    for l in range(NL):
        res = h
        hw = h @ W[l]
        a_i = a[l][:HID]
        a_j = a[l][HID:]
        # alpha_e = a . cat(x_i, x_j + W_edge(edge_attr)) = a_i.x_i + a_j.x_j + a_j.(W_edge e)
        s_i = hw @ a_i
        s_j = hw @ a_j
        e_s = edge_attr @ (W_edge[l] @ a_j)
        e_s_full = jnp.concatenate([e_s, jnp.zeros((n,), e_s.dtype)])
        alpha = s_i[dst] + s_j[src] + e_s_full
        alpha = jax.nn.leaky_relu(alpha, negative_slope=0.2)
        # segment softmax over destination nodes
        amax = jax.ops.segment_max(alpha, dst, num_segments=n)
        amax = jax.lax.stop_gradient(amax)
        ex = jnp.exp(alpha - amax[dst])
        asum = jax.ops.segment_sum(ex, dst, num_segments=n)
        alpha = ex / (asum[dst] + 1e-16)
        out = jax.ops.segment_sum(hw[src] * alpha[:, None], dst, num_segments=n)
        # LayerNorm
        mu = out.mean(axis=-1, keepdims=True)
        var = out.var(axis=-1, keepdims=True)
        out = (out - mu) / jnp.sqrt(var + 1e-5) * ln_g[l] + ln_b[l]
        # ELU, dropout (eval = identity), residual
        h = jax.nn.elu(out) + res
    # global_mean_pool
    sums = jax.ops.segment_sum(h, batch, num_segments=NG)
    cnt = jax.ops.segment_sum(jnp.ones((n,), h.dtype), batch, num_segments=NG)
    pooled = sums / jnp.maximum(cnt, 1.0)[:, None]
    return pooled @ fc_W + fc_b


def reference(x, edge_index, edge_attr, batch, emb, W, W_edge, a, ln_g, ln_b, fc_W, fc_b):
    return _forward(x, edge_index, edge_attr, batch, emb, W, W_edge, a, ln_g, ln_b, fc_W, fc_b)

if __name__ == "__main__":
    import jax
    _d = setup_inputs()
    print(jax.jit(kernel)(*tuple(_d.values())))

</pallas_src>

<mosaic_0001>
#map = affine_map<(d0, d1) -> (0, 0)>
#map1 = affine_map<(d0, d1) -> (0)>
module attributes {stable_mosaic.version = 14 : i64} {
  func.func @_ka_body(%arg0: i32, %arg1: i32, %arg2: memref<5120x128xi32, #tpu.memory_space<hbm>>, %arg3: memref<5120x128xi32, #tpu.memory_space<hbm>>, %arg4: memref<5120x128xf32, #tpu.memory_space<hbm>>, %arg5: memref<10240xf32, #tpu.memory_space<hbm>>, %arg6: memref<10240xf32, #tpu.memory_space<hbm>>, %arg7: memref<10240xf32, #tpu.memory_space<hbm>>, %arg8: memref<5120x128xf32, #tpu.memory_space<hbm>>, %arg9: memref<2x10240xf32, #tpu.memory_space<hbm>>, %arg10: memref<10240xf32, #tpu.memory_space<vmem>>, %arg11: memref<10240xf32, #tpu.memory_space<vmem>>, %arg12: memref<160x128xi32, #tpu.memory_space<vmem>>, %arg13: memref<160x128xi32, #tpu.memory_space<vmem>>, %arg14: memref<160x128xf32, #tpu.memory_space<vmem>>, %arg15: memref<2x128xi32, #tpu.memory_space<vmem>>, %arg16: memref<2x128xf32, #tpu.memory_space<vmem>>, %arg17: memref<10240xf32, #tpu.memory_space<vmem_shared>>, %arg18: memref<2x!tpu.dma_semaphore, #tpu.memory_space<semaphore_mem>>) attributes {dimension_semantics = [#tpu.dimension_semantics<core_parallel>, #tpu.dimension_semantics<subcore_parallel>], iteration_bounds = array<i64: 2, 16>, scalar_prefetch = 0 : i64, scratch_operands = 9 : i64, tpu.core_type = #tpu.core_type<sc_vector_subcore>, window_params = [{transform_indices = #map}, {transform_indices = #map}, {transform_indices = #map}, {transform_indices = #map1}, {transform_indices = #map1}, {transform_indices = #map1}, {transform_indices = #map}, {transform_indices = #map}]} {
    %mul3A = arith.constant 2 : i32
    %mul3A_0 = arith.muli %arg1, %mul3A : i32
    %add3A = arith.addi %mul3A_0, %arg0 : i32
    "tpu.region"() ({
      %run_scoped3A = tpu.sem_alloc : memref<!tpu.dma_semaphore, #tpu.memory_space<semaphore_mem>>
      tpu.enqueue_dma source(%arg5 : memref<10240xf32, #tpu.memory_space<hbm>>) target(%arg10 : memref<10240xf32, #tpu.memory_space<vmem>>) target_semaphore(%run_scoped3A : memref<!tpu.dma_semaphore, #tpu.memory_space<semaphore_mem>>)
      tpu.wait_dma2 semaphore(%run_scoped3A : memref<!tpu.dma_semaphore, #tpu.memory_space<semaphore_mem>>) src(%arg5 : memref<10240xf32, #tpu.memory_space<hbm>>) dst(%arg10 : memref<10240xf32, #tpu.memory_space<vmem>>)
      tpu.yield
    }) : () -> ()
    "tpu.region"() ({
      %run_scoped3A = tpu.sem_alloc : memref<!tpu.dma_semaphore, #tpu.memory_space<semaphore_mem>>
      tpu.enqueue_dma source(%arg6 : memref<10240xf32, #tpu.memory_space<hbm>>) target(%arg11 : memref<10240xf32, #tpu.memory_space<vmem>>) target_semaphore(%run_scoped3A : memref<!tpu.dma_semaphore, #tpu.memory_space<semaphore_mem>>)
      tpu.wait_dma2 semaphore(%run_scoped3A : memref<!tpu.dma_semaphore, #tpu.memory_space<semaphore_mem>>) src(%arg6 : memref<10240xf32, #tpu.memory_space<hbm>>) dst(%arg11 : memref<10240xf32, #tpu.memory_space<vmem>>)
      tpu.yield
    }) : () -> ()
    %mul3A_1 = arith.constant 640 : i32
    %mul3A_2 = arith.muli %arg1, %mul3A_1 : i32
    %mul3A_3 = arith.constant 640 : i32
    %mul3A_4 = arith.muli %arg1, %mul3A_3 : i32
    "tpu.region"() ({
      %run_scoped3A = tpu.sem_alloc : memref<!tpu.dma_semaphore, #tpu.memory_space<semaphore_mem>>
      %dma_start3A = tpu.memref_slice %arg17[%mul3A_4] : memref<10240xf32, #tpu.memory_space<vmem_shared>> -> memref<640xf32, #tpu.memory_space<vmem_shared>>
      %dma_start3A_44 = tpu.memref_slice %arg7[%mul3A_2] : memref<10240xf32, #tpu.memory_space<hbm>> -> memref<640xf32, #tpu.memory_space<hbm>>
      tpu.enqueue_dma source(%dma_start3A_44 : memref<640xf32, #tpu.memory_space<hbm>>) target(%dma_start3A : memref<640xf32, #tpu.memory_space<vmem_shared>>) target_semaphore(%run_scoped3A : memref<!tpu.dma_semaphore, #tpu.memory_space<semaphore_mem>>)
      %dma_wait3A_45 = tpu.memref_slice %arg17[%mul3A_4] : memref<10240xf32, #tpu.memory_space<vmem_shared>> -> memref<640xf32, #tpu.memory_space<vmem_shared>>
      %dma_wait3A_46 = tpu.memref_slice %arg7[%mul3A_2] : memref<10240xf32, #tpu.memory_space<hbm>> -> memref<640xf32, #tpu.memory_space<hbm>>
      tpu.wait_dma2 semaphore(%run_scoped3A : memref<!tpu.dma_semaphore, #tpu.memory_space<semaphore_mem>>) src(%dma_wait3A_46 : memref<640xf32, #tpu.memory_space<hbm>>) dst(%dma_wait3A_45 : memref<640xf32, #tpu.memory_space<vmem_shared>>)
      tpu.yield
    }) : () -> ()
    %barrier3A = arith.constant 0 : index
    tpu.barrier barrier_id(%barrier3A)
    %mul3A_5 = arith.constant 160 : i32
    %mul3A_6 = arith.muli %add3A, %mul3A_5 : i32
    "tpu.region"() ({
      %run_scoped3A = tpu.sem_alloc : memref<!tpu.dma_semaphore, #tpu.memory_space<semaphore_mem>>
      %dma_start3A = arith.constant 0 : i32
      %dma_start3A_44 = tpu.memref_slice %arg2[%mul3A_6, %dma_start3A] : memref<5120x128xi32, #tpu.memory_space<hbm>> -> memref<160x128xi32, #tpu.memory_space<hbm>>
      %dma_start3A_45 = arith.constant 0 : i32
      %dma_start3A_46 = tpu.memref_slice %arg2[%mul3A_6, %dma_start3A_45] : memref<5120x128xi32, #tpu.memory_space<hbm>> -> memref<160x128xi32, #tpu.memory_space<hbm>>
      tpu.enqueue_dma source(%dma_start3A_46 : memref<160x128xi32, #tpu.memory_space<hbm>>) target(%arg12 : memref<160x128xi32, #tpu.memory_space<vmem>>) target_semaphore(%run_scoped3A : memref<!tpu.dma_semaphore, #tpu.memory_space<semaphore_mem>>)
      %dma_wait3A_47 = arith.constant 0 : i32
      %dma_wait3A_48 = tpu.memref_slice %arg2[%mul3A_6, %dma_wait3A_47] : memref<5120x128xi32, #tpu.memory_space<hbm>> -> memref<160x128xi32, #tpu.memory_space<hbm>>
      %dma_wait3A_49 = arith.constant 0 : i32
      %dma_wait3A_50 = tpu.memref_slice %arg2[%mul3A_6, %dma_wait3A_49] : memref<5120x128xi32, #tpu.memory_space<hbm>> -> memref<160x128xi32, #tpu.memory_space<hbm>>
      tpu.wait_dma2 semaphore(%run_scoped3A : memref<!tpu.dma_semaphore, #tpu.memory_space<semaphore_mem>>) src(%dma_wait3A_50 : memref<160x128xi32, #tpu.memory_space<hbm>>) dst(%arg12 : memref<160x128xi32, #tpu.memory_space<vmem>>)
      tpu.yield
    }) : () -> ()
    "tpu.region"() ({
      %run_scoped3A = tpu.sem_alloc : memref<!tpu.dma_semaphore, #tpu.memory_space<semaphore_mem>>
      %dma_start3A = arith.constant 0 : i32
      %dma_start3A_44 = tpu.memref_slice %arg3[%mul3A_6, %dma_start3A] : memref<5120x128xi32, #tpu.memory_space<hbm>> -> memref<160x128xi32, #tpu.memory_space<hbm>>
      %dma_start3A_45 = arith.constant 0 : i32
      %dma_start3A_46 = tpu.memref_slice %arg3[%mul3A_6, %dma_start3A_45] : memref<5120x128xi32, #tpu.memory_space<hbm>> -> memref<160x128xi32, #tpu.memory_space<hbm>>
      tpu.enqueue_dma source(%dma_start3A_46 : memref<160x128xi32, #tpu.memory_space<hbm>>) target(%arg13 : memref<160x128xi32, #tpu.memory_space<vmem>>) target_semaphore(%run_scoped3A : memref<!tpu.dma_semaphore, #tpu.memory_space<semaphore_mem>>)
      %dma_wait3A_47 = arith.constant 0 : i32
      %dma_wait3A_48 = tpu.memref_slice %arg3[%mul3A_6, %dma_wait3A_47] : memref<5120x128xi32, #tpu.memory_space<hbm>> -> memref<160x128xi32, #tpu.memory_space<hbm>>
      %dma_wait3A_49 = arith.constant 0 : i32
      %dma_wait3A_50 = tpu.memref_slice %arg3[%mul3A_6, %dma_wait3A_49] : memref<5120x128xi32, #tpu.memory_space<hbm>> -> memref<160x128xi32, #tpu.memory_space<hbm>>
      tpu.wait_dma2 semaphore(%run_scoped3A : memref<!tpu.dma_semaphore, #tpu.memory_space<semaphore_mem>>) src(%dma_wait3A_50 : memref<160x128xi32, #tpu.memory_space<hbm>>) dst(%arg13 : memref<160x128xi32, #tpu.memory_space<vmem>>)
      tpu.yield
    }) : () -> ()
    "tpu.region"() ({
      %run_scoped3A = tpu.sem_alloc : memref<!tpu.dma_semaphore, #tpu.memory_space<semaphore_mem>>
      %dma_start3A = arith.constant 0 : i32
      %dma_start3A_44 = tpu.memref_slice %arg4[%mul3A_6, %dma_start3A] : memref<5120x128xf32, #tpu.memory_space<hbm>> -> memref<160x128xf32, #tpu.memory_space<hbm>>
      %dma_start3A_45 = arith.constant 0 : i32
      %dma_start3A_46 = tpu.memref_slice %arg4[%mul3A_6, %dma_start3A_45] : memref<5120x128xf32, #tpu.memory_space<hbm>> -> memref<160x128xf32, #tpu.memory_space<hbm>>
      tpu.enqueue_dma source(%dma_start3A_46 : memref<160x128xf32, #tpu.memory_space<hbm>>) target(%arg14 : memref<160x128xf32, #tpu.memory_space<vmem>>) target_semaphore(%run_scoped3A : memref<!tpu.dma_semaphore, #tpu.memory_space<semaphore_mem>>)
      %dma_wait3A_47 = arith.constant 0 : i32
      %dma_wait3A_48 = tpu.memref_slice %arg4[%mul3A_6, %dma_wait3A_47] : memref<5120x128xf32, #tpu.memory_space<hbm>> -> memref<160x128xf32, #tpu.memory_space<hbm>>
      %dma_wait3A_49 = arith.constant 0 : i32
      %dma_wait3A_50 = tpu.memref_slice %arg4[%mul3A_6, %dma_wait3A_49] : memref<5120x128xf32, #tpu.memory_space<hbm>> -> memref<160x128xf32, #tpu.memory_space<hbm>>
      tpu.wait_dma2 semaphore(%run_scoped3A : memref<!tpu.dma_semaphore, #tpu.memory_space<semaphore_mem>>) src(%dma_wait3A_50 : memref<160x128xf32, #tpu.memory_space<hbm>>) dst(%arg14 : memref<160x128xf32, #tpu.memory_space<vmem>>)
      tpu.yield
    }) : () -> ()
    %scan3A = arith.constant 0 : i32
    %scan3A_7 = arith.constant 160 : i32
    %scan3A_8 = arith.addi %scan3A, %scan3A_7 : i32
    %scan3A_9 = arith.constant 1 : i32
    scf.for %scan3A_44 = %scan3A to %scan3A_8 step %scan3A_9  : i32 {
      %mul3A_45 = arith.constant 1 : i32
      %mul3A_46 = arith.muli %scan3A_44, %mul3A_45 : i32
      %add3A_47 = arith.constant 0 : i32
      %add3A_48 = arith.addi %add3A_47, %mul3A_46 : i32
      %scan3A_49 = arith.constant 0 : i32
      %mul3A_50 = arith.constant 1 : i32
      %mul3A_51 = arith.muli %scan3A_49, %mul3A_50 : i32
      %add3A_52 = arith.constant 0 : i32
      %add3A_53 = arith.addi %add3A_52, %mul3A_51 : i32
      %mul3A_54 = arith.constant 16 : i32
      %mul3A_55 = arith.muli %add3A_53, %mul3A_54 : i32
      %get3A = arith.index_cast %add3A_48 : i32 to index
      %get3A_56 = arith.index_cast %mul3A_55 : i32 to index
      %get3A_57 = tpu.vector_load %arg12[%get3A, %get3A_56] {strides = array<i32>} : memref<160x128xi32, #tpu.memory_space<vmem>>, vector<16xi32>,
      %get3A_58 = arith.index_cast %add3A_48 : i32 to index
      %get3A_59 = arith.index_cast %mul3A_55 : i32 to index
      %get3A_60 = tpu.vector_load %arg13[%get3A_58, %get3A_59] {strides = array<i32>} : memref<160x128xi32, #tpu.memory_space<vmem>>, vector<16xi32>,
      %gather3A = tpu.vector_load_idx %arg10[%get3A_57] : memref<10240xf32, #tpu.memory_space<vmem>>[vector<16xi32>], vector<16xf32>,
      %gather3A_61 = tpu.vector_load_idx %arg11[%get3A_60] : memref<10240xf32, #tpu.memory_space<vmem>>[vector<16xi32>], vector<16xf32>,
      %add3A_62 = arith.addf %gather3A, %gather3A_61 : vector<16xf32>
      %get3A_63 = arith.index_cast %add3A_48 : i32 to index
      %get3A_64 = arith.index_cast %mul3A_55 : i32 to index
      %get3A_65 = tpu.vector_load %arg14[%get3A_63, %get3A_64] {strides = array<i32>} : memref<160x128xf32, #tpu.memory_space<vmem>>, vector<16xf32>,
      %add3A_66 = arith.addf %add3A_62, %get3A_65 : vector<16xf32>
      %gt3A = arith.constant 0.000000e+00 : f32
      %gt3A_67 = vector.broadcast %gt3A : f32 to vector<16xf32>
      %gt3A_68 = arith.cmpf ogt, %add3A_66, %gt3A_67 : vector<16xf32>
      %mul3A_69 = arith.constant 2.000000e-01 : f32
      %mul3A_70 = vector.broadcast %mul3A_69 : f32 to vector<16xf32>
      %mul3A_71 = arith.mulf %add3A_66, %mul3A_70 : vector<16xf32>
      %select_n3A = arith.select %gt3A_68, %add3A_66, %mul3A_71 : vector<16xi1>, vector<16xf32>
      %exp3A = math.exp %select_n3A : vector<16xf32>
      %swap3A = arith.index_cast %add3A_48 : i32 to index
      %swap3A_72 = arith.index_cast %mul3A_55 : i32 to index
      %swap3A_73 = tpu.vector_load %arg14[%swap3A, %swap3A_72] {strides = array<i32>} : memref<160x128xf32, #tpu.memory_space<vmem>>, vector<16xf32>,
      tpu.vector_store %arg14[%swap3A, %swap3A_72], %exp3A {strides = array<i32>} : memref<160x128xf32, #tpu.memory_space<vmem>>, vector<16xf32>,
      %scan3A_74 = arith.constant 1 : i32
      %mul3A_75 = arith.constant 1 : i32
      %mul3A_76 = arith.muli %scan3A_74, %mul3A_75 : i32
      %add3A_77 = arith.constant 0 : i32
      %add3A_78 = arith.addi %add3A_77, %mul3A_76 : i32
      %mul3A_79 = arith.constant 16 : i32
      %mul3A_80 = arith.muli %add3A_78, %mul3A_79 : i32
      %get3A_81 = arith.index_cast %add3A_48 : i32 to index
      %get3A_82 = arith.index_cast %mul3A_80 : i32 to index
      %get3A_83 = tpu.vector_load %arg12[%get3A_81, %get3A_82] {strides = array<i32>} : memref<160x128xi32, #tpu.memory_space<vmem>>, vector<16xi32>,
      %get3A_84 = arith.index_cast %add3A_48 : i32 to index
      %get3A_85 = arith.index_cast %mul3A_80 : i32 to index
      %get3A_86 = tpu.vector_load %arg13[%get3A_84, %get3A_85] {strides = array<i32>} : memref<160x128xi32, #tpu.memory_space<vmem>>, vector<16xi32>,
      %gather3A_87 = tpu.vector_load_idx %arg10[%get3A_83] : memref<10240xf32, #tpu.memory_space<vmem>>[vector<16xi32>], vector<16xf32>,
      %gather3A_88 = tpu.vector_load_idx %arg11[%get3A_86] : memref<10240xf32, #tpu.memory_space<vmem>>[vector<16xi32>], vector<16xf32>,
      %add3A_89 = arith.addf %gather3A_87, %gather3A_88 : vector<16xf32>
      %get3A_90 = arith.index_cast %add3A_48 : i32 to index
      %get3A_91 = arith.index_cast %mul3A_80 : i32 to index
      %get3A_92 = tpu.vector_load %arg14[%get3A_90, %get3A_91] {strides = array<i32>} : memref<160x128xf32, #tpu.memory_space<vmem>>, vector<16xf32>,
      %add3A_93 = arith.addf %add3A_89, %get3A_92 : vector<16xf32>
      %gt3A_94 = arith.constant 0.000000e+00 : f32
      %gt3A_95 = vector.broadcast %gt3A_94 : f32 to vector<16xf32>
      %gt3A_96 = arith.cmpf ogt, %add3A_93, %gt3A_95 : vector<16xf32>
      %mul3A_97 = arith.constant 2.000000e-01 : f32
      %mul3A_98 = vector.broadcast %mul3A_97 : f32 to vector<16xf32>
      %mul3A_99 = arith.mulf %add3A_93, %mul3A_98 : vector<16xf32>
      %select_n3A_100 = arith.select %gt3A_96, %add3A_93, %mul3A_99 : vector<16xi1>, vector<16xf32>
      %exp3A_101 = math.exp %select_n3A_100 : vector<16xf32>
      %swap3A_102 = arith.index_cast %add3A_48 : i32 to index
      %swap3A_103 = arith.index_cast %mul3A_80 : i32 to index
      %swap3A_104 = tpu.vector_load %arg14[%swap3A_102, %swap3A_103] {strides = array<i32>} : memref<160x128xf32, #tpu.memory_space<vmem>>, vector<16xf32>,
      tpu.vector_store %arg14[%swap3A_102, %swap3A_103], %exp3A_101 {strides = array<i32>} : memref<160x128xf32, #tpu.memory_space<vmem>>, vector<16xf32>,
      %scan3A_105 = arith.constant 2 : i32
      %mul3A_106 = arith.constant 1 : i32
      %mul3A_107 = arith.muli %scan3A_105, %mul3A_106 : i32
      %add3A_108 = arith.constant 0 : i32
      %add3A_109 = arith.addi %add3A_108, %mul3A_107 : i32
      %mul3A_110 = arith.constant 16 : i32
      %mul3A_111 = arith.muli %add3A_109, %mul3A_110 : i32
      %get3A_112 = arith.index_cast %add3A_48 : i32 to index
      %get3A_113 = arith.index_cast %mul3A_111 : i32 to index
      %get3A_114 = tpu.vector_load %arg12[%get3A_112, %get3A_113] {strides = array<i32>} : memref<160x128xi32, #tpu.memory_space<vmem>>, vector<16xi32>,
      %get3A_115 = arith.index_cast %add3A_48 : i32 to index
      %get3A_116 = arith.index_cast %mul3A_111 : i32 to index
      %get3A_117 = tpu.vector_load %arg13[%get3A_115, %get3A_116] {strides = array<i32>} : memref<160x128xi32, #tpu.memory_space<vmem>>, vector<16xi32>,
      %gather3A_118 = tpu.vector_load_idx %arg10[%get3A_114] : memref<10240xf32, #tpu.memory_space<vmem>>[vector<16xi32>], vector<16xf32>,
      %gather3A_119 = tpu.vector_load_idx %arg11[%get3A_117] : memref<10240xf32, #tpu.memory_space<vmem>>[vector<16xi32>], vector<16xf32>,
      %add3A_120 = arith.addf %gather3A_118, %gather3A_119 : vector<16xf32>
      %get3A_121 = arith.index_cast %add3A_48 : i32 to index
      %get3A_122 = arith.index_cast %mul3A_111 : i32 to index
      %get3A_123 = tpu.vector_load %arg14[%get3A_121, %get3A_122] {strides = array<i32>} : memref<160x128xf32, #tpu.memory_space<vmem>>, vector<16xf32>,
      %add3A_124 = arith.addf %add3A_120, %get3A_123 : vector<16xf32>
      %gt3A_125 = arith.constant 0.000000e+00 : f32
      %gt3A_126 = vector.broadcast %gt3A_125 : f32 to vector<16xf32>
      %gt3A_127 = arith.cmpf ogt, %add3A_124, %gt3A_126 : vector<16xf32>
      %mul3A_128 = arith.constant 2.000000e-01 : f32
      %mul3A_129 = vector.broadcast %mul3A_128 : f32 to vector<16xf32>
      %mul3A_130 = arith.mulf %add3A_124, %mul3A_129 : vector<16xf32>
      %select_n3A_131 = arith.select %gt3A_127, %add3A_124, %mul3A_130 : vector<16xi1>, vector<16xf32>
      %exp3A_132 = math.exp %select_n3A_131 : vector<16xf32>
      %swap3A_133 = arith.index_cast %add3A_48 : i32 to index
      %swap3A_134 = arith.index_cast %mul3A_111 : i32 to index
      %swap3A_135 = tpu.vector_load %arg14[%swap3A_133, %swap3A_134] {strides = array<i32>} : memref<160x128xf32, #tpu.memory_space<vmem>>, vector<16xf32>,
      tpu.vector_store %arg14[%swap3A_133, %swap3A_134], %exp3A_132 {strides = array<i32>} : memref<160x128xf32, #tpu.memory_space<vmem>>, vector<16xf32>,
      %scan3A_136 = arith.constant 3 : i32
      %mul3A_137 = arith.constant 1 : i32
      %mul3A_138 = arith.muli %scan3A_136, %mul3A_137 : i32
      %add3A_139 = arith.constant 0 : i32
      %add3A_140 = arith.addi %add3A_139, %mul3A_138 : i32
      %mul3A_141 = arith.constant 16 : i32
      %mul3A_142 = arith.muli %add3A_140, %mul3A_141 : i32
      %get3A_143 = arith.index_cast %add3A_48 : i32 to index
      %get3A_144 = arith.index_cast %mul3A_142 : i32 to index
      %get3A_145 = tpu.vector_load %arg12[%get3A_143, %get3A_144] {strides = array<i32>} : memref<160x128xi32, #tpu.memory_space<vmem>>, vector<16xi32>,
      %get3A_146 = arith.index_cast %add3A_48 : i32 to index
      %get3A_147 = arith.index_cast %mul3A_142 : i32 to index
      %get3A_148 = tpu.vector_load %arg13[%get3A_146, %get3A_147] {strides = array<i32>} : memref<160x128xi32, #tpu.memory_space<vmem>>, vector<16xi32>,
      %gather3A_149 = tpu.vector_load_idx %arg10[%get3A_145] : memref<10240xf32, #tpu.memory_space<vmem>>[vector<16xi32>], vector<16xf32>,
      %gather3A_150 = tpu.vector_load_idx %arg11[%get3A_148] : memref<10240xf32, #tpu.memory_space<vmem>>[vector<16xi32>], vector<16xf32>,
      %add3A_151 = arith.addf %gather3A_149, %gather3A_150 : vector<16xf32>
      %get3A_152 = arith.index_cast %add3A_48 : i32 to index
      %get3A_153 = arith.index_cast %mul3A_142 : i32 to index
      %get3A_154 = tpu.vector_load %arg14[%get3A_152, %get3A_153] {strides = array<i32>} : memref<160x128xf32, #tpu.memory_space<vmem>>, vector<16xf32>,
      %add3A_155 = arith.addf %add3A_151, %get3A_154 : vector<16xf32>
      %gt3A_156 = arith.constant 0.000000e+00 : f32
      %gt3A_157 = vector.broadcast %gt3A_156 : f32 to vector<16xf32>
      %gt3A_158 = arith.cmpf ogt, %add3A_155, %gt3A_157 : vector<16xf32>
      %mul3A_159 = arith.constant 2.000000e-01 : f32
      %mul3A_160 = vector.broadcast %mul3A_159 : f32 to vector<16xf32>
      %mul3A_161 = arith.mulf %add3A_155, %mul3A_160 : vector<16xf32>
      %select_n3A_162 = arith.select %gt3A_158, %add3A_155, %mul3A_161 : vector<16xi1>, vector<16xf32>
      %exp3A_163 = math.exp %select_n3A_162 : vector<16xf32>
      %swap3A_164 = arith.index_cast %add3A_48 : i32 to index
      %swap3A_165 = arith.index_cast %mul3A_142 : i32 to index
      %swap3A_166 = tpu.vector_load %arg14[%swap3A_164, %swap3A_165] {strides = array<i32>} : memref<160x128xf32, #tpu.memory_space<vmem>>, vector<16xf32>,
      tpu.vector_store %arg14[%swap3A_164, %swap3A_165], %exp3A_163 {strides = array<i32>} : memref<160x128xf32, #tpu.memory_space<vmem>>, vector<16xf32>,
      %scan3A_167 = arith.constant 4 : i32
      %mul3A_168 = arith.constant 1 : i32
      %mul3A_169 = arith.muli %scan3A_167, %mul3A_168 : i32
      %add3A_170 = arith.constant 0 : i32
      %add3A_171 = arith.addi %add3A_170, %mul3A_169 : i32
      %mul3A_172 = arith.constant 16 : i32
      %mul3A_173 = arith.muli %add3A_171, %mul3A_172 : i32
      %get3A_174 = arith.index_cast %add3A_48 : i32 to index
      %get3A_175 = arith.index_cast %mul3A_173 : i32 to index
      %get3A_176 = tpu.vector_load %arg12[%get3A_174, %get3A_175] {strides = array<i32>} : memref<160x128xi32, #tpu.memory_space<vmem>>, vector<16xi32>,
      %get3A_177 = arith.index_cast %add3A_48 : i32 to index
      %get3A_178 = arith.index_cast %mul3A_173 : i32 to index
      %get3A_179 = tpu.vector_load %arg13[%get3A_177, %get3A_178] {strides = array<i32>} : memref<160x128xi32, #tpu.memory_space<vmem>>, vector<16xi32>,
      %gather3A_180 = tpu.vector_load_idx %arg10[%get3A_176] : memref<10240xf32, #tpu.memory_space<vmem>>[vector<16xi32>], vector<16xf32>,
      %gather3A_181 = tpu.vector_load_idx %arg11[%get3A_179] : memref<10240xf32, #tpu.memory_space<vmem>>[vector<16xi32>], vector<16xf32>,
      %add3A_182 = arith.addf %gather3A_180, %gather3A_181 : vector<16xf32>
      %get3A_183 = arith.index_cast %add3A_48 : i32 to index
      %get3A_184 = arith.index_cast %mul3A_173 : i32 to index
      %get3A_185 = tpu.vector_load %arg14[%get3A_183, %get3A_184] {strides = array<i32>} : memref<160x128xf32, #tpu.memory_space<vmem>>, vector<16xf32>,
      %add3A_186 = arith.addf %add3A_182, %get3A_185 : vector<16xf32>
      %gt3A_187 = arith.constant 0.000000e+00 : f32
      %gt3A_188 = vector.broadcast %gt3A_187 : f32 to vector<16xf32>
      %gt3A_189 = arith.cmpf ogt, %add3A_186, %gt3A_188 : vector<16xf32>
      %mul3A_190 = arith.constant 2.000000e-01 : f32
      %mul3A_191 = vector.broadcast %mul3A_190 : f32 to vector<16xf32>
      %mul3A_192 = arith.mulf %add3A_186, %mul3A_191 : vector<16xf32>
      %select_n3A_193 = arith.select %gt3A_189, %add3A_186, %mul3A_192 : vector<16xi1>, vector<16xf32>
      %exp3A_194 = math.exp %select_n3A_193 : vector<16xf32>
      %swap3A_195 = arith.index_cast %add3A_48 : i32 to index
      %swap3A_196 = arith.index_cast %mul3A_173 : i32 to index
      %swap3A_197 = tpu.vector_load %arg14[%swap3A_195, %swap3A_196] {strides = array<i32>} : memref<160x128xf32, #tpu.memory_space<vmem>>, vector<16xf32>,
      tpu.vector_store %arg14[%swap3A_195, %swap3A_196], %exp3A_194 {strides = array<i32>} : memref<160x128xf32, #tpu.memory_space<vmem>>, vector<16xf32>,
      %scan3A_198 = arith.constant 5 : i32
      %mul3A_199 = arith.constant 1 : i32
      %mul3A_200 = arith.muli %scan3A_198, %mul3A_199 : i32
      %add3A_201 = arith.constant 0 : i32
      %add3A_202 = arith.addi %add3A_201, %mul3A_200 : i32
      %mul3A_203 = arith.constant 16 : i32
      %mul3A_204 = arith.muli %add3A_202, %mul3A_203 : i32
      %get3A_205 = arith.index_cast %add3A_48 : i32 to index
      %get3A_206 = arith.index_cast %mul3A_204 : i32 to index
      %get3A_207 = tpu.vector_load %arg12[%get3A_205, %get3A_206] {strides = array<i32>} : memref<160x128xi32, #tpu.memory_space<vmem>>, vector<16xi32>,
      %get3A_208 = arith.index_cast %add3A_48 : i32 to index
      %get3A_209 = arith.index_cast %mul3A_204 : i32 to index
      %get3A_210 = tpu.vector_load %arg13[%get3A_208, %get3A_209] {strides = array<i32>} : memref<160x128xi32, #tpu.memory_space<vmem>>, vector<16xi32>,
      %gather3A_211 = tpu.vector_load_idx %arg10[%get3A_207] : memref<10240xf32, #tpu.memory_space<vmem>>[vector<16xi32>], vector<16xf32>,
      %gather3A_212 = tpu.vector_load_idx %arg11[%get3A_210] : memref<10240xf32, #tpu.memory_space<vmem>>[vector<16xi32>], vector<16xf32>,
      %add3A_213 = arith.addf %gather3A_211, %gather3A_212 : vector<16xf32>
      %get3A_214 = arith.index_cast %add3A_48 : i32 to index
      %get3A_215 = arith.index_cast %mul3A_204 : i32 to index
      %get3A_216 = tpu.vector_load %arg14[%get3A_214, %get3A_215] {strides = array<i32>} : memref<160x128xf32, #tpu.memory_space<vmem>>, vector<16xf32>,
      %add3A_217 = arith.addf %add3A_213, %get3A_216 : vector<16xf32>
      %gt3A_218 = arith.constant 0.000000e+00 : f32
      %gt3A_219 = vector.broadcast %gt3A_218 : f32 to vector<16xf32>
      %gt3A_220 = arith.cmpf ogt, %add3A_217, %gt3A_219 : vector<16xf32>
      %mul3A_221 = arith.constant 2.000000e-01 : f32
      %mul3A_222 = vector.broadcast %mul3A_221 : f32 to vector<16xf32>
      %mul3A_223 = arith.mulf %add3A_217, %mul3A_222 : vector<16xf32>
      %select_n3A_224 = arith.select %gt3A_220, %add3A_217, %mul3A_223 : vector<16xi1>, vector<16xf32>
      %exp3A_225 = math.exp %select_n3A_224 : vector<16xf32>
      %swap3A_226 = arith.index_cast %add3A_48 : i32 to index
      %swap3A_227 = arith.index_cast %mul3A_204 : i32 to index
      %swap3A_228 = tpu.vector_load %arg14[%swap3A_226, %swap3A_227] {strides = array<i32>} : memref<160x128xf32, #tpu.memory_space<vmem>>, vector<16xf32>,
      tpu.vector_store %arg14[%swap3A_226, %swap3A_227], %exp3A_225 {strides = array<i32>} : memref<160x128xf32, #tpu.memory_space<vmem>>, vector<16xf32>,
      %scan3A_229 = arith.constant 6 : i32
      %mul3A_230 = arith.constant 1 : i32
      %mul3A_231 = arith.muli %scan3A_229, %mul3A_230 : i32
      %add3A_232 = arith.constant 0 : i32
      %add3A_233 = arith.addi %add3A_232, %mul3A_231 : i32
      %mul3A_234 = arith.constant 16 : i32
      %mul3A_235 = arith.muli %add3A_233, %mul3A_234 : i32
      %get3A_236 = arith.index_cast %add3A_48 : i32 to index
      %get3A_237 = arith.index_cast %mul3A_235 : i32 to index
      %get3A_238 = tpu.vector_load %arg12[%get3A_236, %get3A_237] {strides = array<i32>} : memref<160x128xi32, #tpu.memory_space<vmem>>, vector<16xi32>,
      %get3A_239 = arith.index_cast %add3A_48 : i32 to index
      %get3A_240 = arith.index_cast %mul3A_235 : i32 to index
      %get3A_241 = tpu.vector_load %arg13[%get3A_239, %get3A_240] {strides = array<i32>} : memref<160x128xi32, #tpu.memory_space<vmem>>, vector<16xi32>,
      %gather3A_242 = tpu.vector_load_idx %arg10[%get3A_238] : memref<10240xf32, #tpu.memory_space<vmem>>[vector<16xi32>], vector<16xf32>,
      %gather3A_243 = tpu.vector_load_idx %arg11[%get3A_241] : memref<10240xf32, #tpu.memory_space<vmem>>[vector<16xi32>], vector<16xf32>,
      %add3A_244 = arith.addf %gather3A_242, %gather3A_243 : vector<16xf32>
      %get3A_245 = arith.index_cast %add3A_48 : i32 to index
      %get3A_246 = arith.index_cast %mul3A_235 : i32 to index
      %get3A_247 = tpu.vector_load %arg14[%get3A_245, %get3A_246] {strides = array<i32>} : memref<160x128xf32, #tpu.memory_space<vmem>>, vector<16xf32>,
      %add3A_248 = arith.addf %add3A_244, %get3A_247 : vector<16xf32>
      %gt3A_249 = arith.constant 0.000000e+00 : f32
      %gt3A_250 = vector.broadcast %gt3A_249 : f32 to vector<16xf32>
      %gt3A_251 = arith.cmpf ogt, %add3A_248, %gt3A_250 : vector<16xf32>
      %mul3A_252 = arith.constant 2.000000e-01 : f32
      %mul3A_253 = vector.broadcast %mul3A_252 : f32 to vector<16xf32>
      %mul3A_254 = arith.mulf %add3A_248, %mul3A_253 : vector<16xf32>
      %select_n3A_255 = arith.select %gt3A_251, %add3A_248, %mul3A_254 : vector<16xi1>, vector<16xf32>
      %exp3A_256 = math.exp %select_n3A_255 : vector<16xf32>
      %swap3A_257 = arith.index_cast %add3A_48 : i32 to index
      %swap3A_258 = arith.index_cast %mul3A_235 : i32 to index
      %swap3A_259 = tpu.vector_load %arg14[%swap3A_257, %swap3A_258] {strides = array<i32>} : memref<160x128xf32, #tpu.memory_space<vmem>>, vector<16xf32>,
      tpu.vector_store %arg14[%swap3A_257, %swap3A_258], %exp3A_256 {strides = array<i32>} : memref<160x128xf32, #tpu.memory_space<vmem>>, vector<16xf32>,
      %scan3A_260 = arith.constant 7 : i32
      %mul3A_261 = arith.constant 1 : i32
      %mul3A_262 = arith.muli %scan3A_260, %mul3A_261 : i32
      %add3A_263 = arith.constant 0 : i32
      %add3A_264 = arith.addi %add3A_263, %mul3A_262 : i32
      %mul3A_265 = arith.constant 16 : i32
      %mul3A_266 = arith.muli %add3A_264, %mul3A_265 : i32
      %get3A_267 = arith.index_cast %add3A_48 : i32 to index
      %get3A_268 = arith.index_cast %mul3A_266 : i32 to index
      %get3A_269 = tpu.vector_load %arg12[%get3A_267, %get3A_268] {strides = array<i32>} : memref<160x128xi32, #tpu.memory_space<vmem>>, vector<16xi32>,
      %get3A_270 = arith.index_cast %add3A_48 : i32 to index
      %get3A_271 = arith.index_cast %mul3A_266 : i32 to index
      %get3A_272 = tpu.vector_load %arg13[%get3A_270, %get3A_271] {strides = array<i32>} : memref<160x128xi32, #tpu.memory_space<vmem>>, vector<16xi32>,
      %gather3A_273 = tpu.vector_load_idx %arg10[%get3A_269] : memref<10240xf32, #tpu.memory_space<vmem>>[vector<16xi32>], vector<16xf32>,
      %gather3A_274 = tpu.vector_load_idx %arg11[%get3A_272] : memref<10240xf32, #tpu.memory_space<vmem>>[vector<16xi32>], vector<16xf32>,
      %add3A_275 = arith.addf %gather3A_273, %gather3A_274 : vector<16xf32>
      %get3A_276 = arith.index_cast %add3A_48 : i32 to index
      %get3A_277 = arith.index_cast %mul3A_266 : i32 to index
      %get3A_278 = tpu.vector_load %arg14[%get3A_276, %get3A_277] {strides = array<i32>} : memref<160x128xf32, #tpu.memory_space<vmem>>, vector<16xf32>,
      %add3A_279 = arith.addf %add3A_275, %get3A_278 : vector<16xf32>
      %gt3A_280 = arith.constant 0.000000e+00 : f32
      %gt3A_281 = vector.broadcast %gt3A_280 : f32 to vector<16xf32>
      %gt3A_282 = arith.cmpf ogt, %add3A_279, %gt3A_281 : vector<16xf32>
      %mul3A_283 = arith.constant 2.000000e-01 : f32
      %mul3A_284 = vector.broadcast %mul3A_283 : f32 to vector<16xf32>
      %mul3A_285 = arith.mulf %add3A_279, %mul3A_284 : vector<16xf32>
      %select_n3A_286 = arith.select %gt3A_282, %add3A_279, %mul3A_285 : vector<16xi1>, vector<16xf32>
      %exp3A_287 = math.exp %select_n3A_286 : vector<16xf32>
      %swap3A_288 = arith.index_cast %add3A_48 : i32 to index
      %swap3A_289 = arith.index_cast %mul3A_266 : i32 to index
      %swap3A_290 = tpu.vector_load %arg14[%swap3A_288, %swap3A_289] {strides = array<i32>} : memref<160x128xf32, #tpu.memory_space<vmem>>, vector<16xf32>,
      tpu.vector_store %arg14[%swap3A_288, %swap3A_289], %exp3A_287 {strides = array<i32>} : memref<160x128xf32, #tpu.memory_space<vmem>>, vector<16xf32>,
      %scan3A_291 = arith.constant 8 : i32
    }
    %scan3A_10 = arith.constant 160 : i32
    "tpu.region"() ({
      %run_scoped3A = tpu.sem_alloc : memref<!tpu.dma_semaphore, #tpu.memory_space<semaphore_mem>>
      %dma_start3A = arith.constant 0 : i32
      %dma_start3A_44 = tpu.memref_slice %arg8[%mul3A_6, %dma_start3A] : memref<5120x128xf32, #tpu.memory_space<hbm>> -> memref<160x128xf32, #tpu.memory_space<hbm>>
      %dma_start3A_45 = arith.constant 0 : i32
      %dma_start3A_46 = tpu.memref_slice %arg8[%mul3A_6, %dma_start3A_45] : memref<5120x128xf32, #tpu.memory_space<hbm>> -> memref<160x128xf32, #tpu.memory_space<hbm>>
      tpu.enqueue_dma source(%arg14 : memref<160x128xf32, #tpu.memory_space<vmem>>) target(%dma_start3A_46 : memref<160x128xf32, #tpu.memory_space<hbm>>) target_semaphore(%run_scoped3A : memref<!tpu.dma_semaphore, #tpu.memory_space<semaphore_mem>>)
      %dma_wait3A_47 = arith.constant 0 : i32
      %dma_wait3A_48 = tpu.memref_slice %arg8[%mul3A_6, %dma_wait3A_47] : memref<5120x128xf32, #tpu.memory_space<hbm>> -> memref<160x128xf32, #tpu.memory_space<hbm>>
      %dma_wait3A_49 = arith.constant 0 : i32
      %dma_wait3A_50 = tpu.memref_slice %arg8[%mul3A_6, %dma_wait3A_49] : memref<5120x128xf32, #tpu.memory_space<hbm>> -> memref<160x128xf32, #tpu.memory_space<hbm>>
      tpu.wait_dma2 semaphore(%run_scoped3A : memref<!tpu.dma_semaphore, #tpu.memory_space<semaphore_mem>>) src(%arg14 : memref<160x128xf32, #tpu.memory_space<vmem>>) dst(%dma_wait3A_50 : memref<160x128xf32, #tpu.memory_space<hbm>>)
      tpu.yield
    }) : () -> ()
    %scan3A_11 = arith.constant 0 : i32
    %scan3A_12 = arith.constant 80 : i32
    %scan3A_13 = arith.addi %scan3A_11, %scan3A_12 : i32
    %scan3A_14 = arith.constant 1 : i32
    scf.for %scan3A_44 = %scan3A_11 to %scan3A_13 step %scan3A_14  : i32 {
      %mul3A_45 = arith.constant 1 : i32
      %mul3A_46 = arith.muli %scan3A_44, %mul3A_45 : i32
      %add3A_47 = arith.constant 0 : i32
      %add3A_48 = arith.addi %add3A_47, %mul3A_46 : i32
      %mul3A_49 = arith.constant 2 : i32
      %mul3A_50 = arith.muli %add3A_48, %mul3A_49 : i32
      %add3A_51 = arith.constant 0 : i32
      %add3A_52 = arith.addi %mul3A_50, %add3A_51 : i32
      %gt3A = arith.constant 0 : i32
      %gt3A_53 = arith.cmpi sgt, %add3A_48, %gt3A : i32
      %convert_element_type3A_54 = arith.extui %gt3A_53 : i1 to i32
      %cond3A_55 = arith.constant 0 : i32
      %cond3A_56 = arith.cmpi ne, %convert_element_type3A_54, %cond3A_55 : i32
      scf.if %cond3A_56 {
        %dma_wait3A_427 = arith.constant 0 : i32
        %dma_wait3A_428 = arith.constant 0 : i32
        %dma_wait3A_429 = arith.constant 0 : i32
        %dma_wait3A_430 = arith.constant 0 : i32
        %dma_wait3A_431 = tpu.memref_slice %arg16[%dma_wait3A_427, %dma_wait3A_430] : memref<2x128xf32, #tpu.memory_space<vmem>> -> memref<1x128xf32, #tpu.memory_space<vmem>>
        %dma_wait3A_432 = tpu.memref_squeeze %dma_wait3A_431 : memref<1x128xf32, #tpu.memory_space<vmem>> -> memref<128xf32, #tpu.memory_space<vmem>>
        %dma_wait3A_433 = arith.constant 0 : i32
        %dma_wait3A_434 = tpu.memref_slice %arg15[%dma_wait3A_428, %dma_wait3A_433] : memref<2x128xi32, #tpu.memory_space<vmem>> -> memref<1x128xi32, #tpu.memory_space<vmem>>
        %dma_wait3A_435 = tpu.memref_squeeze %dma_wait3A_434 : memref<1x128xi32, #tpu.memory_space<vmem>> -> memref<128xi32, #tpu.memory_space<vmem>>
        %dma_wait3A_436 = arith.constant 0 : i32
        %dma_wait3A_437 = tpu.memref_slice %arg17[%dma_wait3A_436] : memref<10240xf32, #tpu.memory_space<vmem_shared>> -> memref<10240xf32, #tpu.memory_space<vmem_shared>>
        %dma_wait3A_438 = tpu.memref_slice %arg18[%dma_wait3A_429] : memref<2x!tpu.dma_semaphore, #tpu.memory_space<semaphore_mem>> -> memref<1x!tpu.dma_semaphore, #tpu.memory_space<semaphore_mem>>
        %dma_wait3A_439 = tpu.memref_squeeze %dma_wait3A_438 : memref<1x!tpu.dma_semaphore, #tpu.memory_space<semaphore_mem>> -> memref<!tpu.dma_semaphore, #tpu.memory_space<semaphore_mem>>
        tpu.wait_indirect_dma semaphore(%dma_wait3A_439 : memref<!tpu.dma_semaphore, #tpu.memory_space<semaphore_mem>>) src(%dma_wait3A_432 : memref<128xf32, #tpu.memory_space<vmem>>) dst(%dma_wait3A_437 : memref<10240xf32, #tpu.memory_space<vmem_shared>>)
      } else {
      }
      %scan3A_57 = arith.constant 0 : i32
      %mul3A_58 = arith.constant 1 : i32
      %mul3A_59 = arith.muli %scan3A_57, %mul3A_58 : i32
      %add3A_60 = arith.constant 0 : i32
      %add3A_61 = arith.addi %add3A_60, %mul3A_59 : i32
      %mul3A_62 = arith.constant 16 : i32
      %mul3A_63 = arith.muli %add3A_61, %mul3A_62 : i32
      %get3A = arith.index_cast %add3A_52 : i32 to index
      %get3A_64 = arith.index_cast %mul3A_63 : i32 to index
      %get3A_65 = tpu.vector_load %arg12[%get3A, %get3A_64] {strides = array<i32>} : memref<160x128xi32, #tpu.memory_space<vmem>>, vector<16xi32>,
      %swap3A = arith.constant 0 : i32
      %swap3A_66 = arith.index_cast %swap3A : i32 to index
      %swap3A_67 = arith.index_cast %mul3A_63 : i32 to index
      %swap3A_68 = tpu.vector_load %arg15[%swap3A_66, %swap3A_67] {strides = array<i32>} : memref<2x128xi32, #tpu.memory_space<vmem>>, vector<16xi32>,
      tpu.vector_store %arg15[%swap3A_66, %swap3A_67], %get3A_65 {strides = array<i32>} : memref<2x128xi32, #tpu.memory_space<vmem>>, vector<16xi32>,
      %get3A_69 = arith.index_cast %add3A_52 : i32 to index
      %get3A_70 = arith.index_cast %mul3A_63 : i32 to index
      %get3A_71 = tpu.vector_load %arg14[%get3A_69, %get3A_70] {strides = array<i32>} : memref<160x128xf32, #tpu.memory_space<vmem>>, vector<16xf32>,
      %swap3A_72 = arith.constant 0 : i32
      %swap3A_73 = arith.index_cast %swap3A_72 : i32 to index
      %swap3A_74 = arith.index_cast %mul3A_63 : i32 to index
      %swap3A_75 = tpu.vector_load %arg16[%swap3A_73, %swap3A_74] {strides = array<i32>} : memref<2x128xf32, #tpu.memory_space<vmem>>, vector<16xf32>,
      tpu.vector_store %arg16[%swap3A_73, %swap3A_74], %get3A_71 {strides = array<i32>} : memref<2x128xf32, #tpu.memory_space<vmem>>, vector<16xf32>,
      %scan3A_76 = arith.constant 1 : i32
      %mul3A_77 = arith.constant 1 : i32
      %mul3A_78 = arith.muli %scan3A_76, %mul3A_77 : i32
      %add3A_79 = arith.constant 0 : i32
      %add3A_80 = arith.addi %add3A_79, %mul3A_78 : i32
      %mul3A_81 = arith.constant 16 : i32
      %mul3A_82 = arith.muli %add3A_80, %mul3A_81 : i32
      %get3A_83 = arith.index_cast %add3A_52 : i32 to index
      %get3A_84 = arith.index_cast %mul3A_82 : i32 to index
      %get3A_85 = tpu.vector_load %arg12[%get3A_83, %get3A_84] {strides = array<i32>} : memref<160x128xi32, #tpu.memory_space<vmem>>, vector<16xi32>,
      %swap3A_86 = arith.constant 0 : i32
      %swap3A_87 = arith.index_cast %swap3A_86 : i32 to index
      %swap3A_88 = arith.index_cast %mul3A_82 : i32 to index
      %swap3A_89 = tpu.vector_load %arg15[%swap3A_87, %swap3A_88] {strides = array<i32>} : memref<2x128xi32, #tpu.memory_space<vmem>>, vector<16xi32>,
      tpu.vector_store %arg15[%swap3A_87, %swap3A_88], %get3A_85 {strides = array<i32>} : memref<2x128xi32, #tpu.memory_space<vmem>>, vector<16xi32>,
      %get3A_90 = arith.index_cast %add3A_52 : i32 to index
      %get3A_91 = arith.index_cast %mul3A_82 : i32 to index
      %get3A_92 = tpu.vector_load %arg14[%get3A_90, %get3A_91] {strides = array<i32>} : memref<160x128xf32, #tpu.memory_space<vmem>>, vector<16xf32>,
      %swap3A_93 = arith.constant 0 : i32
      %swap3A_94 = arith.index_cast %swap3A_93 : i32 to index
      %swap3A_95 = arith.index_cast %mul3A_82 : i32 to index
      %swap3A_96 = tpu.vector_load %arg16[%swap3A_94, %swap3A_95] {strides = array<i32>} : memref<2x128xf32, #tpu.memory_space<vmem>>, vector<16xf32>,
      tpu.vector_store %arg16[%swap3A_94, %swap3A_95], %get3A_92 {strides = array<i32>} : memref<2x128xf32, #tpu.memory_space<vmem>>, vector<16xf32>,
      %scan3A_97 = arith.constant 2 : i32
      %mul3A_98 = arith.constant 1 : i32
      %mul3A_99 = arith.muli %scan3A_97, %mul3A_98 : i32
      %add3A_100 = arith.constant 0 : i32
      %add3A_101 = arith.addi %add3A_100, %mul3A_99 : i32
      %mul3A_102 = arith.constant 16 : i32
      %mul3A_103 = arith.muli %add3A_101, %mul3A_102 : i32
      %get3A_104 = arith.index_cast %add3A_52 : i32 to index
      %get3A_105 = arith.index_cast %mul3A_103 : i32 to index
      %get3A_106 = tpu.vector_load %arg12[%get3A_104, %get3A_105] {strides = array<i32>} : memref<160x128xi32, #tpu.memory_space<vmem>>, vector<16xi32>,
      %swap3A_107 = arith.constant 0 : i32
      %swap3A_108 = arith.index_cast %swap3A_107 : i32 to index
      %swap3A_109 = arith.index_cast %mul3A_103 : i32 to index
      %swap3A_110 = tpu.vector_load %arg15[%swap3A_108, %swap3A_109] {strides = array<i32>} : memref<2x128xi32, #tpu.memory_space<vmem>>, vector<16xi32>,
      tpu.vector_store %arg15[%swap3A_108, %swap3A_109], %get3A_106 {strides = array<i32>} : memref<2x128xi32, #tpu.memory_space<vmem>>, vector<16xi32>,
      %get3A_111 = arith.index_cast %add3A_52 : i32 to index
      %get3A_112 = arith.index_cast %mul3A_103 : i32 to index
      %get3A_113 = tpu.vector_load %arg14[%get3A_111, %get3A_112] {strides = array<i32>} : memref<160x128xf32, #tpu.memory_space<vmem>>, vector<16xf32>,
      %swap3A_114 = arith.constant 0 : i32
      %swap3A_115 = arith.index_cast %swap3A_114 : i32 to index
      %swap3A_116 = arith.index_cast %mul3A_103 : i32 to index
      %swap3A_117 = tpu.vector_load %arg16[%swap3A_115, %swap3A_116] {strides = array<i32>} : memref<2x128xf32, #tpu.memory_space<vmem>>, vector<16xf32>,
      tpu.vector_store %arg16[%swap3A_115, %swap3A_116], %get3A_113 {strides = array<i32>} : memref<2x128xf32, #tpu.memory_space<vmem>>, vector<16xf32>,
      %scan3A_118 = arith.constant 3 : i32
      %mul3A_119 = arith.constant 1 : i32
      %mul3A_120 = arith.muli %scan3A_118, %mul3A_119 : i32
      %add3A_121 = arith.constant 0 : i32
      %add3A_122 = arith.addi %add3A_121, %mul3A_120 : i32
      %mul3A_123 = arith.constant 16 : i32
      %mul3A_124 = arith.muli %add3A_122, %mul3A_123 : i32
      %get3A_125 = arith.index_cast %add3A_52 : i32 to index
      %get3A_126 = arith.index_cast %mul3A_124 : i32 to index
      %get3A_127 = tpu.vector_load %arg12[%get3A_125, %get3A_126] {strides = array<i32>} : memref<160x128xi32, #tpu.memory_space<vmem>>, vector<16xi32>,
      %swap3A_128 = arith.constant 0 : i32
      %swap3A_129 = arith.index_cast %swap3A_128 : i32 to index
      %swap3A_130 = arith.index_cast %mul3A_124 : i32 to index
      %swap3A_131 = tpu.vector_load %arg15[%swap3A_129, %swap3A_130] {strides = array<i32>} : memref<2x128xi32, #tpu.memory_space<vmem>>, vector<16xi32>,
      tpu.vector_store %arg15[%swap3A_129, %swap3A_130], %get3A_127 {strides = array<i32>} : memref<2x128xi32, #tpu.memory_space<vmem>>, vector<16xi32>,
      %get3A_132 = arith.index_cast %add3A_52 : i32 to index
      %get3A_133 = arith.index_cast %mul3A_124 : i32 to index
      %get3A_134 = tpu.vector_load %arg14[%get3A_132, %get3A_133] {strides = array<i32>} : memref<160x128xf32, #tpu.memory_space<vmem>>, vector<16xf32>,
      %swap3A_135 = arith.constant 0 : i32
      %swap3A_136 = arith.index_cast %swap3A_135 : i32 to index
      %swap3A_137 = arith.index_cast %mul3A_124 : i32 to index
      %swap3A_138 = tpu.vector_load %arg16[%swap3A_136, %swap3A_137] {strides = array<i32>} : memref<2x128xf32, #tpu.memory_space<vmem>>, vector<16xf32>,
      tpu.vector_store %arg16[%swap3A_136, %swap3A_137], %get3A_134 {strides = array<i32>} : memref<2x128xf32, #tpu.memory_space<vmem>>, vector<16xf32>,
      %scan3A_139 = arith.constant 4 : i32
      %mul3A_140 = arith.constant 1 : i32
      %mul3A_141 = arith.muli %scan3A_139, %mul3A_140 : i32
      %add3A_142 = arith.constant 0 : i32
      %add3A_143 = arith.addi %add3A_142, %mul3A_141 : i32
      %mul3A_144 = arith.constant 16 : i32
      %mul3A_145 = arith.muli %add3A_143, %mul3A_144 : i32
      %get3A_146 = arith.index_cast %add3A_52 : i32 to index
      %get3A_147 = arith.index_cast %mul3A_145 : i32 to index
      %get3A_148 = tpu.vector_load %arg12[%get3A_146, %get3A_147] {strides = array<i32>} : memref<160x128xi32, #tpu.memory_space<vmem>>, vector<16xi32>,
      %swap3A_149 = arith.constant 0 : i32
      %swap3A_150 = arith.index_cast %swap3A_149 : i32 to index
      %swap3A_151 = arith.index_cast %mul3A_145 : i32 to index
      %swap3A_152 = tpu.vector_load %arg15[%swap3A_150, %swap3A_151] {strides = array<i32>} : memref<2x128xi32, #tpu.memory_space<vmem>>, vector<16xi32>,
      tpu.vector_store %arg15[%swap3A_150, %swap3A_151], %get3A_148 {strides = array<i32>} : memref<2x128xi32, #tpu.memory_space<vmem>>, vector<16xi32>,
      %get3A_153 = arith.index_cast %add3A_52 : i32 to index
      %get3A_154 = arith.index_cast %mul3A_145 : i32 to index
      %get3A_155 = tpu.vector_load %arg14[%get3A_153, %get3A_154] {strides = array<i32>} : memref<160x128xf32, #tpu.memory_space<vmem>>, vector<16xf32>,
      %swap3A_156 = arith.constant 0 : i32
      %swap3A_157 = arith.index_cast %swap3A_156 : i32 to index
      %swap3A_158 = arith.index_cast %mul3A_145 : i32 to index
      %swap3A_159 = tpu.vector_load %arg16[%swap3A_157, %swap3A_158] {strides = array<i32>} : memref<2x128xf32, #tpu.memory_space<vmem>>, vector<16xf32>,
      tpu.vector_store %arg16[%swap3A_157, %swap3A_158], %get3A_155 {strides = array<i32>} : memref<2x128xf32, #tpu.memory_space<vmem>>, vector<16xf32>,
      %scan3A_160 = arith.constant 5 : i32
      %mul3A_161 = arith.constant 1 : i32
      %mul3A_162 = arith.muli %scan3A_160, %mul3A_161 : i32
      %add3A_163 = arith.constant 0 : i32
      %add3A_164 = arith.addi %add3A_163, %mul3A_162 : i32
      %mul3A_165 = arith.constant 16 : i32
      %mul3A_166 = arith.muli %add3A_164, %mul3A_165 : i32
      %get3A_167 = arith.index_cast %add3A_52 : i32 to index
      %get3A_168 = arith.index_cast %mul3A_166 : i32 to index
      %get3A_169 = tpu.vector_load %arg12[%get3A_167, %get3A_168] {strides = array<i32>} : memref<160x128xi32, #tpu.memory_space<vmem>>, vector<16xi32>,
      %swap3A_170 = arith.constant 0 : i32
      %swap3A_171 = arith.index_cast %swap3A_170 : i32 to index
      %swap3A_172 = arith.index_cast %mul3A_166 : i32 to index
      %swap3A_173 = tpu.vector_load %arg15[%swap3A_171, %swap3A_172] {strides = array<i32>} : memref<2x128xi32, #tpu.memory_space<vmem>>, vector<16xi32>,
      tpu.vector_store %arg15[%swap3A_171, %swap3A_172], %get3A_169 {strides = array<i32>} : memref<2x128xi32, #tpu.memory_space<vmem>>, vector<16xi32>,
      %get3A_174 = arith.index_cast %add3A_52 : i32 to index
      %get3A_175 = arith.index_cast %mul3A_166 : i32 to index
      %get3A_176 = tpu.vector_load %arg14[%get3A_174, %get3A_175] {strides = array<i32>} : memref<160x128xf32, #tpu.memory_space<vmem>>, vector<16xf32>,
      %swap3A_177 = arith.constant 0 : i32
      %swap3A_178 = arith.index_cast %swap3A_177 : i32 to index
      %swap3A_179 = arith.index_cast %mul3A_166 : i32 to index
      %swap3A_180 = tpu.vector_load %arg16[%swap3A_178, %swap3A_179] {strides = array<i32>} : memref<2x128xf32, #tpu.memory_space<vmem>>, vector<16xf32>,
      tpu.vector_store %arg16[%swap3A_178, %swap3A_179], %get3A_176 {strides = array<i32>} : memref<2x128xf32, #tpu.memory_space<vmem>>, vector<16xf32>,
      %scan3A_181 = arith.constant 6 : i32
      %mul3A_182 = arith.constant 1 : i32
      %mul3A_183 = arith.muli %scan3A_181, %mul3A_182 : i32
      %add3A_184 = arith.constant 0 : i32
      %add3A_185 = arith.addi %add3A_184, %mul3A_183 : i32
      %mul3A_186 = arith.constant 16 : i32
      %mul3A_187 = arith.muli %add3A_185, %mul3A_186 : i32
      %get3A_188 = arith.index_cast %add3A_52 : i32 to index
      %get3A_189 = arith.index_cast %mul3A_187 : i32 to index
      %get3A_190 = tpu.vector_load %arg12[%get3A_188, %get3A_189] {strides = array<i32>} : memref<160x128xi32, #tpu.memory_space<vmem>>, vector<16xi32>,
      %swap3A_191 = arith.constant 0 : i32
      %swap3A_192 = arith.index_cast %swap3A_191 : i32 to index
      %swap3A_193 = arith.index_cast %mul3A_187 : i32 to index
      %swap3A_194 = tpu.vector_load %arg15[%swap3A_192, %swap3A_193] {strides = array<i32>} : memref<2x128xi32, #tpu.memory_space<vmem>>, vector<16xi32>,
      tpu.vector_store %arg15[%swap3A_192, %swap3A_193], %get3A_190 {strides = array<i32>} : memref<2x128xi32, #tpu.memory_space<vmem>>, vector<16xi32>,
      %get3A_195 = arith.index_cast %add3A_52 : i32 to index
      %get3A_196 = arith.index_cast %mul3A_187 : i32 to index
      %get3A_197 = tpu.vector_load %arg14[%get3A_195, %get3A_196] {strides = array<i32>} : memref<160x128xf32, #tpu.memory_space<vmem>>, vector<16xf32>,
      %swap3A_198 = arith.constant 0 : i32
      %swap3A_199 = arith.index_cast %swap3A_198 : i32 to index
      %swap3A_200 = arith.index_cast %mul3A_187 : i32 to index
      %swap3A_201 = tpu.vector_load %arg16[%swap3A_199, %swap3A_200] {strides = array<i32>} : memref<2x128xf32, #tpu.memory_space<vmem>>, vector<16xf32>,
      tpu.vector_store %arg16[%swap3A_199, %swap3A_200], %get3A_197 {strides = array<i32>} : memref<2x128xf32, #tpu.memory_space<vmem>>, vector<16xf32>,
      %scan3A_202 = arith.constant 7 : i32
      %mul3A_203 = arith.constant 1 : i32
      %mul3A_204 = arith.muli %scan3A_202, %mul3A_203 : i32
      %add3A_205 = arith.constant 0 : i32
      %add3A_206 = arith.addi %add3A_205, %mul3A_204 : i32
      %mul3A_207 = arith.constant 16 : i32
      %mul3A_208 = arith.muli %add3A_206, %mul3A_207 : i32
      %get3A_209 = arith.index_cast %add3A_52 : i32 to index
      %get3A_210 = arith.index_cast %mul3A_208 : i32 to index
      %get3A_211 = tpu.vector_load %arg12[%get3A_209, %get3A_210] {strides = array<i32>} : memref<160x128xi32, #tpu.memory_space<vmem>>, vector<16xi32>,
      %swap3A_212 = arith.constant 0 : i32
      %swap3A_213 = arith.index_cast %swap3A_212 : i32 to index
      %swap3A_214 = arith.index_cast %mul3A_208 : i32 to index
      %swap3A_215 = tpu.vector_load %arg15[%swap3A_213, %swap3A_214] {strides = array<i32>} : memref<2x128xi32, #tpu.memory_space<vmem>>, vector<16xi32>,
      tpu.vector_store %arg15[%swap3A_213, %swap3A_214], %get3A_211 {strides = array<i32>} : memref<2x128xi32, #tpu.memory_space<vmem>>, vector<16xi32>,
      %get3A_216 = arith.index_cast %add3A_52 : i32 to index
      %get3A_217 = arith.index_cast %mul3A_208 : i32 to index
      %get3A_218 = tpu.vector_load %arg14[%get3A_216, %get3A_217] {strides = array<i32>} : memref<160x128xf32, #tpu.memory_space<vmem>>, vector<16xf32>,
      %swap3A_219 = arith.constant 0 : i32
      %swap3A_220 = arith.index_cast %swap3A_219 : i32 to index
      %swap3A_221 = arith.index_cast %mul3A_208 : i32 to index
      %swap3A_222 = tpu.vector_load %arg16[%swap3A_220, %swap3A_221] {strides = array<i32>} : memref<2x128xf32, #tpu.memory_space<vmem>>, vector<16xf32>,
      tpu.vector_store %arg16[%swap3A_220, %swap3A_221], %get3A_218 {strides = array<i32>} : memref<2x128xf32, #tpu.memory_space<vmem>>, vector<16xf32>,
      %scan3A_223 = arith.constant 8 : i32
      %dma_start3A = arith.constant 0 : i32
      %dma_start3A_224 = arith.constant 0 : i32
      %dma_start3A_225 = arith.constant 0 : i32
      %dma_start3A_226 = arith.constant 0 : i32
      %dma_start3A_227 = tpu.memref_slice %arg16[%dma_start3A, %dma_start3A_226] : memref<2x128xf32, #tpu.memory_space<vmem>> -> memref<1x128xf32, #tpu.memory_space<vmem>>
      %dma_start3A_228 = tpu.memref_squeeze %dma_start3A_227 : memref<1x128xf32, #tpu.memory_space<vmem>> -> memref<128xf32, #tpu.memory_space<vmem>>
      %dma_start3A_229 = arith.constant 0 : i32
      %dma_start3A_230 = tpu.memref_slice %arg15[%dma_start3A_224, %dma_start3A_229] : memref<2x128xi32, #tpu.memory_space<vmem>> -> memref<1x128xi32, #tpu.memory_space<vmem>>
      %dma_start3A_231 = tpu.memref_squeeze %dma_start3A_230 : memref<1x128xi32, #tpu.memory_space<vmem>> -> memref<128xi32, #tpu.memory_space<vmem>>
      %dma_start3A_232 = arith.constant 0 : i32
      %dma_start3A_233 = tpu.memref_slice %arg17[%dma_start3A_232] : memref<10240xf32, #tpu.memory_space<vmem_shared>> -> memref<10240xf32, #tpu.memory_space<vmem_shared>>
      %dma_start3A_234 = tpu.memref_slice %arg18[%dma_start3A_225] : memref<2x!tpu.dma_semaphore, #tpu.memory_space<semaphore_mem>> -> memref<1x!tpu.dma_semaphore, #tpu.memory_space<semaphore_mem>>
      %dma_start3A_235 = tpu.memref_squeeze %dma_start3A_234 : memref<1x!tpu.dma_semaphore, #tpu.memory_space<semaphore_mem>> -> memref<!tpu.dma_semaphore, #tpu.memory_space<semaphore_mem>>
      tpu.enqueue_indirect_dma source(%dma_start3A_228 : memref<128xf32, #tpu.memory_space<vmem>>) target(%dma_start3A_233 : memref<10240xf32, #tpu.memory_space<vmem_shared>>) offsets(%dma_start3A_231 : memref<128xi32, #tpu.memory_space<vmem>>) semaphore(%dma_start3A_235 : memref<!tpu.dma_semaphore, #tpu.memory_space<semaphore_mem>>) {add = true}
      %mul3A_236 = arith.constant 2 : i32
      %mul3A_237 = arith.muli %add3A_48, %mul3A_236 : i32
      %add3A_238 = arith.constant 1 : i32
      %add3A_239 = arith.addi %mul3A_237, %add3A_238 : i32
      %gt3A_240 = arith.constant 0 : i32
      %gt3A_241 = arith.cmpi sgt, %add3A_48, %gt3A_240 : i32
      %convert_element_type3A_242 = arith.extui %gt3A_241 : i1 to i32
      %cond3A_243 = arith.constant 0 : i32
      %cond3A_244 = arith.cmpi ne, %convert_element_type3A_242, %cond3A_243 : i32
      scf.if %cond3A_244 {
        %dma_wait3A_427 = arith.constant 1 : i32
        %dma_wait3A_428 = arith.constant 1 : i32
        %dma_wait3A_429 = arith.constant 1 : i32
        %dma_wait3A_430 = arith.constant 0 : i32
        %dma_wait3A_431 = tpu.memref_slice %arg16[%dma_wait3A_427, %dma_wait3A_430] : memref<2x128xf32, #tpu.memory_space<vmem>> -> memref<1x128xf32, #tpu.memory_space<vmem>>
        %dma_wait3A_432 = tpu.memref_squeeze %dma_wait3A_431 : memref<1x128xf32, #tpu.memory_space<vmem>> -> memref<128xf32, #tpu.memory_space<vmem>>
        %dma_wait3A_433 = arith.constant 0 : i32
        %dma_wait3A_434 = tpu.memref_slice %arg15[%dma_wait3A_428, %dma_wait3A_433] : memref<2x128xi32, #tpu.memory_space<vmem>> -> memref<1x128xi32, #tpu.memory_space<vmem>>
        %dma_wait3A_435 = tpu.memref_squeeze %dma_wait3A_434 : memref<1x128xi32, #tpu.memory_space<vmem>> -> memref<128xi32, #tpu.memory_space<vmem>>
        %dma_wait3A_436 = arith.constant 0 : i32
        %dma_wait3A_437 = tpu.memref_slice %arg17[%dma_wait3A_436] : memref<10240xf32, #tpu.memory_space<vmem_shared>> -> memref<10240xf32, #tpu.memory_space<vmem_shared>>
        %dma_wait3A_438 = tpu.memref_slice %arg18[%dma_wait3A_429] : memref<2x!tpu.dma_semaphore, #tpu.memory_space<semaphore_mem>> -> memref<1x!tpu.dma_semaphore, #tpu.memory_space<semaphore_mem>>
        %dma_wait3A_439 = tpu.memref_squeeze %dma_wait3A_438 : memref<1x!tpu.dma_semaphore, #tpu.memory_space<semaphore_mem>> -> memref<!tpu.dma_semaphore, #tpu.memory_space<semaphore_mem>>
        tpu.wait_indirect_dma semaphore(%dma_wait3A_439 : memref<!tpu.dma_semaphore, #tpu.memory_space<semaphore_mem>>) src(%dma_wait3A_432 : memref<128xf32, #tpu.memory_space<vmem>>) dst(%dma_wait3A_437 : memref<10240xf32, #tpu.memory_space<vmem_shared>>)
      } else {
      }
      %scan3A_245 = arith.constant 0 : i32
      %mul3A_246 = arith.constant 1 : i32
      %mul3A_247 = arith.muli %scan3A_245, %mul3A_246 : i32
      %add3A_248 = arith.constant 0 : i32
      %add3A_249 = arith.addi %add3A_248, %mul3A_247 : i32
      %mul3A_250 = arith.constant 16 : i32
      %mul3A_251 = arith.muli %add3A_249, %mul3A_250 : i32
      %get3A_252 = arith.index_cast %add3A_239 : i32 to index
      %get3A_253 = arith.index_cast %mul3A_251 : i32 to index
      %get3A_254 = tpu.vector_load %arg12[%get3A_252, %get3A_253] {strides = array<i32>} : memref<160x128xi32, #tpu.memory_space<vmem>>, vector<16xi32>,
      %swap3A_255 = arith.constant 1 : i32
      %swap3A_256 = arith.index_cast %swap3A_255 : i32 to index
      %swap3A_257 = arith.index_cast %mul3A_251 : i32 to index
      %swap3A_258 = tpu.vector_load %arg15[%swap3A_256, %swap3A_257] {strides = array<i32>} : memref<2x128xi32, #tpu.memory_space<vmem>>, vector<16xi32>,
      tpu.vector_store %arg15[%swap3A_256, %swap3A_257], %get3A_254 {strides = array<i32>} : memref<2x128xi32, #tpu.memory_space<vmem>>, vector<16xi32>,
      %get3A_259 = arith.index_cast %add3A_239 : i32 to index
      %get3A_260 = arith.index_cast %mul3A_251 : i32 to index
      %get3A_261 = tpu.vector_load %arg14[%get3A_259, %get3A_260] {strides = array<i32>} : memref<160x128xf32, #tpu.memory_space<vmem>>, vector<16xf32>,
      %swap3A_262 = arith.constant 1 : i32
      %swap3A_263 = arith.index_cast %swap3A_262 : i32 to index
      %swap3A_264 = arith.index_cast %mul3A_251 : i32 to index
      %swap3A_265 = tpu.vector_load %arg16[%swap3A_263, %swap3A_264] {strides = array<i32>} : memref<2x128xf32, #tpu.memory_space<vmem>>, vector<16xf32>,
      tpu.vector_store %arg16[%swap3A_263, %swap3A_264], %get3A_261 {strides = array<i32>} : memref<2x128xf32, #tpu.memory_space<vmem>>, vector<16xf32>,
      %scan3A_266 = arith.constant 1 : i32
      %mul3A_267 = arith.constant 1 : i32
      %mul3A_268 = arith.muli %scan3A_266, %mul3A_267 : i32
      %add3A_269 = arith.constant 0 : i32
      %add3A_270 = arith.addi %add3A_269, %mul3A_268 : i32
      %mul3A_271 = arith.constant 16 : i32
      %mul3A_272 = arith.muli %add3A_270, %mul3A_271 : i32
      %get3A_273 = arith.index_cast %add3A_239 : i32 to index
      %get3A_274 = arith.index_cast %mul3A_272 : i32 to index
      %get3A_275 = tpu.vector_load %arg12[%get3A_273, %get3A_274] {strides = array<i32>} : memref<160x128xi32, #tpu.memory_space<vmem>>, vector<16xi32>,
      %swap3A_276 = arith.constant 1 : i32
      %swap3A_277 = arith.index_cast %swap3A_276 : i32 to index
      %swap3A_278 = arith.index_cast %mul3A_272 : i32 to index
      %swap3A_279 = tpu.vector_load %arg15[%swap3A_277, %swap3A_278] {strides = array<i32>} : memref<2x128xi32, #tpu.memory_space<vmem>>, vector<16xi32>,
      tpu.vector_store %arg15[%swap3A_277, %swap3A_278], %get3A_275 {strides = array<i32>} : memref<2x128xi32, #tpu.memory_space<vmem>>, vector<16xi32>,
      %get3A_280 = arith.index_cast %add3A_239 : i32 to index
      %get3A_281 = arith.index_cast %mul3A_272 : i32 to index
      %get3A_282 = tpu.vector_load %arg14[%get3A_280, %get3A_281] {strides = array<i32>} : memref<160x128xf32, #tpu.memory_space<vmem>>, vector<16xf32>,
      %swap3A_283 = arith.constant 1 : i32
      %swap3A_284 = arith.index_cast %swap3A_283 : i32 to index
      %swap3A_285 = arith.index_cast %mul3A_272 : i32 to index
      %swap3A_286 = tpu.vector_load %arg16[%swap3A_284, %swap3A_285] {strides = array<i32>} : memref<2x128xf32, #tpu.memory_space<vmem>>, vector<16xf32>,
      tpu.vector_store %arg16[%swap3A_284, %swap3A_285], %get3A_282 {strides = array<i32>} : memref<2x128xf32, #tpu.memory_space<vmem>>, vector<16xf32>,
      %scan3A_287 = arith.constant 2 : i32
      %mul3A_288 = arith.constant 1 : i32
      %mul3A_289 = arith.muli %scan3A_287, %mul3A_288 : i32
      %add3A_290 = arith.constant 0 : i32
      %add3A_291 = arith.addi %add3A_290, %mul3A_289 : i32
      %mul3A_292 = arith.constant 16 : i32
      %mul3A_293 = arith.muli %add3A_291, %mul3A_292 : i32
      %get3A_294 = arith.index_cast %add3A_239 : i32 to index
      %get3A_295 = arith.index_cast %mul3A_293 : i32 to index
      %get3A_296 = tpu.vector_load %arg12[%get3A_294, %get3A_295] {strides = array<i32>} : memref<160x128xi32, #tpu.memory_space<vmem>>, vector<16xi32>,
      %swap3A_297 = arith.constant 1 : i32
      %swap3A_298 = arith.index_cast %swap3A_297 : i32 to index
      %swap3A_299 = arith.index_cast %mul3A_293 : i32 to index
      %swap3A_300 = tpu.vector_load %arg15[%swap3A_298, %swap3A_299] {strides = array<i32>} : memref<2x128xi32, #tpu.memory_space<vmem>>, vector<16xi32>,
      tpu.vector_store %arg15[%swap3A_298, %swap3A_299], %get3A_296 {strides = array<i32>} : memref<2x128xi32, #tpu.memory_space<vmem>>, vector<16xi32>,
      %get3A_301 = arith.index_cast %add3A_239 : i32 to index
      %get3A_302 = arith.index_cast %mul3A_293 : i32 to index
      %get3A_303 = tpu.vector_load %arg14[%get3A_301, %get3A_302] {strides = array<i32>} : memref<160x128xf32, #tpu.memory_space<vmem>>, vector<16xf32>,
      %swap3A_304 = arith.constant 1 : i32
      %swap3A_305 = arith.index_cast %swap3A_304 : i32 to index
      %swap3A_306 = arith.index_cast %mul3A_293 : i32 to index
      %swap3A_307 = tpu.vector_load %arg16[%swap3A_305, %swap3A_306] {strides = array<i32>} : memref<2x128xf32, #tpu.memory_space<vmem>>, vector<16xf32>,
      tpu.vector_store %arg16[%swap3A_305, %swap3A_306], %get3A_303 {strides = array<i32>} : memref<2x128xf32, #tpu.memory_space<vmem>>, vector<16xf32>,
      %scan3A_308 = arith.constant 3 : i32
      %mul3A_309 = arith.constant 1 : i32
      %mul3A_310 = arith.muli %scan3A_308, %mul3A_309 : i32
      %add3A_311 = arith.constant 0 : i32
      %add3A_312 = arith.addi %add3A_311, %mul3A_310 : i32
      %mul3A_313 = arith.constant 16 : i32
      %mul3A_314 = arith.muli %add3A_312, %mul3A_313 : i32
      %get3A_315 = arith.index_cast %add3A_239 : i32 to index
      %get3A_316 = arith.index_cast %mul3A_314 : i32 to index
      %get3A_317 = tpu.vector_load %arg12[%get3A_315, %get3A_316] {strides = array<i32>} : memref<160x128xi32, #tpu.memory_space<vmem>>, vector<16xi32>,
      %swap3A_318 = arith.constant 1 : i32
      %swap3A_319 = arith.index_cast %swap3A_318 : i32 to index
      %swap3A_320 = arith.index_cast %mul3A_314 : i32 to index
      %swap3A_321 = tpu.vector_load %arg15[%swap3A_319, %swap3A_320] {strides = array<i32>} : memref<2x128xi32, #tpu.memory_space<vmem>>, vector<16xi32>,
      tpu.vector_store %arg15[%swap3A_319, %swap3A_320], %get3A_317 {strides = array<i32>} : memref<2x128xi32, #tpu.memory_space<vmem>>, vector<16xi32>,
      %get3A_322 = arith.index_cast %add3A_239 : i32 to index
      %get3A_323 = arith.index_cast %mul3A_314 : i32 to index
      %get3A_324 = tpu.vector_load %arg14[%get3A_322, %get3A_323] {strides = array<i32>} : memref<160x128xf32, #tpu.memory_space<vmem>>, vector<16xf32>,
      %swap3A_325 = arith.constant 1 : i32
      %swap3A_326 = arith.index_cast %swap3A_325 : i32 to index
      %swap3A_327 = arith.index_cast %mul3A_314 : i32 to index
      %swap3A_328 = tpu.vector_load %arg16[%swap3A_326, %swap3A_327] {strides = array<i32>} : memref<2x128xf32, #tpu.memory_space<vmem>>, vector<16xf32>,
      tpu.vector_store %arg16[%swap3A_326, %swap3A_327], %get3A_324 {strides = array<i32>} : memref<2x128xf32, #tpu.memory_space<vmem>>, vector<16xf32>,
      %scan3A_329 = arith.constant 4 : i32
      %mul3A_330 = arith.constant 1 : i32
      %mul3A_331 = arith.muli %scan3A_329, %mul3A_330 : i32
      %add3A_332 = arith.constant 0 : i32
      %add3A_333 = arith.addi %add3A_332, %mul3A_331 : i32
      %mul3A_334 = arith.constant 16 : i32
      %mul3A_335 = arith.muli %add3A_333, %mul3A_334 : i32
      %get3A_336 = arith.index_cast %add3A_239 : i32 to index
      %get3A_337 = arith.index_cast %mul3A_335 : i32 to index
      %get3A_338 = tpu.vector_load %arg12[%get3A_336, %get3A_337] {strides = array<i32>} : memref<160x128xi32, #tpu.memory_space<vmem>>, vector<16xi32>,
      %swap3A_339 = arith.constant 1 : i32
      %swap3A_340 = arith.index_cast %swap3A_339 : i32 to index
      %swap3A_341 = arith.index_cast %mul3A_335 : i32 to index
      %swap3A_342 = tpu.vector_load %arg15[%swap3A_340, %swap3A_341] {strides = array<i32>} : memref<2x128xi32, #tpu.memory_space<vmem>>, vector<16xi32>,
      tpu.vector_store %arg15[%swap3A_340, %swap3A_341], %get3A_338 {strides = array<i32>} : memref<2x128xi32, #tpu.memory_space<vmem>>, vector<16xi32>,
      %get3A_343 = arith.index_cast %add3A_239 : i32 to index
      %get3A_344 = arith.index_cast %mul3A_335 : i32 to index
      %get3A_345 = tpu.vector_load %arg14[%get3A_343, %get3A_344] {strides = array<i32>} : memref<160x128xf32, #tpu.memory_space<vmem>>, vector<16xf32>,
      %swap3A_346 = arith.constant 1 : i32
      %swap3A_347 = arith.index_cast %swap3A_346 : i32 to index
      %swap3A_348 = arith.index_cast %mul3A_335 : i32 to index
      %swap3A_349 = tpu.vector_load %arg16[%swap3A_347, %swap3A_348] {strides = array<i32>} : memref<2x128xf32, #tpu.memory_space<vmem>>, vector<16xf32>,
      tpu.vector_store %arg16[%swap3A_347, %swap3A_348], %get3A_345 {strides = array<i32>} : memref<2x128xf32, #tpu.memory_space<vmem>>, vector<16xf32>,
      %scan3A_350 = arith.constant 5 : i32
      %mul3A_351 = arith.constant 1 : i32
      %mul3A_352 = arith.muli %scan3A_350, %mul3A_351 : i32
      %add3A_353 = arith.constant 0 : i32
      %add3A_354 = arith.addi %add3A_353, %mul3A_352 : i32
      %mul3A_355 = arith.constant 16 : i32
      %mul3A_356 = arith.muli %add3A_354, %mul3A_355 : i32
      %get3A_357 = arith.index_cast %add3A_239 : i32 to index
      %get3A_358 = arith.index_cast %mul3A_356 : i32 to index
      %get3A_359 = tpu.vector_load %arg12[%get3A_357, %get3A_358] {strides = array<i32>} : memref<160x128xi32, #tpu.memory_space<vmem>>, vector<16xi32>,
      %swap3A_360 = arith.constant 1 : i32
      %swap3A_361 = arith.index_cast %swap3A_360 : i32 to index
      %swap3A_362 = arith.index_cast %mul3A_356 : i32 to index
      %swap3A_363 = tpu.vector_load %arg15[%swap3A_361, %swap3A_362] {strides = array<i32>} : memref<2x128xi32, #tpu.memory_space<vmem>>, vector<16xi32>,
      tpu.vector_store %arg15[%swap3A_361, %swap3A_362], %get3A_359 {strides = array<i32>} : memref<2x128xi32, #tpu.memory_space<vmem>>, vector<16xi32>,
      %get3A_364 = arith.index_cast %add3A_239 : i32 to index
      %get3A_365 = arith.index_cast %mul3A_356 : i32 to index
      %get3A_366 = tpu.vector_load %arg14[%get3A_364, %get3A_365] {strides = array<i32>} : memref<160x128xf32, #tpu.memory_space<vmem>>, vector<16xf32>,
      %swap3A_367 = arith.constant 1 : i32
      %swap3A_368 = arith.index_cast %swap3A_367 : i32 to index
      %swap3A_369 = arith.index_cast %mul3A_356 : i32 to index
      %swap3A_370 = tpu.vector_load %arg16[%swap3A_368, %swap3A_369] {strides = array<i32>} : memref<2x128xf32, #tpu.memory_space<vmem>>, vector<16xf32>,
      tpu.vector_store %arg16[%swap3A_368, %swap3A_369], %get3A_366 {strides = array<i32>} : memref<2x128xf32, #tpu.memory_space<vmem>>, vector<16xf32>,
      %scan3A_371 = arith.constant 6 : i32
      %mul3A_372 = arith.constant 1 : i32
      %mul3A_373 = arith.muli %scan3A_371, %mul3A_372 : i32
      %add3A_374 = arith.constant 0 : i32
      %add3A_375 = arith.addi %add3A_374, %mul3A_373 : i32
      %mul3A_376 = arith.constant 16 : i32
      %mul3A_377 = arith.muli %add3A_375, %mul3A_376 : i32
      %get3A_378 = arith.index_cast %add3A_239 : i32 to index
      %get3A_379 = arith.index_cast %mul3A_377 : i32 to index
      %get3A_380 = tpu.vector_load %arg12[%get3A_378, %get3A_379] {strides = array<i32>} : memref<160x128xi32, #tpu.memory_space<vmem>>, vector<16xi32>,
      %swap3A_381 = arith.constant 1 : i32
      %swap3A_382 = arith.index_cast %swap3A_381 : i32 to index
      %swap3A_383 = arith.index_cast %mul3A_377 : i32 to index
      %swap3A_384 = tpu.vector_load %arg15[%swap3A_382, %swap3A_383] {strides = array<i32>} : memref<2x128xi32, #tpu.memory_space<vmem>>, vector<16xi32>,
      tpu.vector_store %arg15[%swap3A_382, %swap3A_383], %get3A_380 {strides = array<i32>} : memref<2x128xi32, #tpu.memory_space<vmem>>, vector<16xi32>,
      %get3A_385 = arith.index_cast %add3A_239 : i32 to index
      %get3A_386 = arith.index_cast %mul3A_377 : i32 to index
      %get3A_387 = tpu.vector_load %arg14[%get3A_385, %get3A_386] {strides = array<i32>} : memref<160x128xf32, #tpu.memory_space<vmem>>, vector<16xf32>,
      %swap3A_388 = arith.constant 1 : i32
      %swap3A_389 = arith.index_cast %swap3A_388 : i32 to index
      %swap3A_390 = arith.index_cast %mul3A_377 : i32 to index
      %swap3A_391 = tpu.vector_load %arg16[%swap3A_389, %swap3A_390] {strides = array<i32>} : memref<2x128xf32, #tpu.memory_space<vmem>>, vector<16xf32>,
      tpu.vector_store %arg16[%swap3A_389, %swap3A_390], %get3A_387 {strides = array<i32>} : memref<2x128xf32, #tpu.memory_space<vmem>>, vector<16xf32>,
      %scan3A_392 = arith.constant 7 : i32
      %mul3A_393 = arith.constant 1 : i32
      %mul3A_394 = arith.muli %scan3A_392, %mul3A_393 : i32
      %add3A_395 = arith.constant 0 : i32
      %add3A_396 = arith.addi %add3A_395, %mul3A_394 : i32
      %mul3A_397 = arith.constant 16 : i32
      %mul3A_398 = arith.muli %add3A_396, %mul3A_397 : i32
      %get3A_399 = arith.index_cast %add3A_239 : i32 to index
      %get3A_400 = arith.index_cast %mul3A_398 : i32 to index
      %get3A_401 = tpu.vector_load %arg12[%get3A_399, %get3A_400] {strides = array<i32>} : memref<160x128xi32, #tpu.memory_space<vmem>>, vector<16xi32>,
      %swap3A_402 = arith.constant 1 : i32
      %swap3A_403 = arith.index_cast %swap3A_402 : i32 to index
      %swap3A_404 = arith.index_cast %mul3A_398 : i32 to index
      %swap3A_405 = tpu.vector_load %arg15[%swap3A_403, %swap3A_404] {strides = array<i32>} : memref<2x128xi32, #tpu.memory_space<vmem>>, vector<16xi32>,
      tpu.vector_store %arg15[%swap3A_403, %swap3A_404], %get3A_401 {strides = array<i32>} : memref<2x128xi32, #tpu.memory_space<vmem>>, vector<16xi32>,
      %get3A_406 = arith.index_cast %add3A_239 : i32 to index
      %get3A_407 = arith.index_cast %mul3A_398 : i32 to index
      %get3A_408 = tpu.vector_load %arg14[%get3A_406, %get3A_407] {strides = array<i32>} : memref<160x128xf32, #tpu.memory_space<vmem>>, vector<16xf32>,
      %swap3A_409 = arith.constant 1 : i32
      %swap3A_410 = arith.index_cast %swap3A_409 : i32 to index
      %swap3A_411 = arith.index_cast %mul3A_398 : i32 to index
      %swap3A_412 = tpu.vector_load %arg16[%swap3A_410, %swap3A_411] {strides = array<i32>} : memref<2x128xf32, #tpu.memory_space<vmem>>, vector<16xf32>,
      tpu.vector_store %arg16[%swap3A_410, %swap3A_411], %get3A_408 {strides = array<i32>} : memref<2x128xf32, #tpu.memory_space<vmem>>, vector<16xf32>,
      %scan3A_413 = arith.constant 8 : i32
      %dma_start3A_414 = arith.constant 1 : i32
      %dma_start3A_415 = arith.constant 1 : i32
      %dma_start3A_416 = arith.constant 1 : i32
      %dma_start3A_417 = arith.constant 0 : i32
      %dma_start3A_418 = tpu.memref_slice %arg16[%dma_start3A_414, %dma_start3A_417] : memref<2x128xf32, #tpu.memory_space<vmem>> -> memref<1x128xf32, #tpu.memory_space<vmem>>
      %dma_start3A_419 = tpu.memref_squeeze %dma_start3A_418 : memref<1x128xf32, #tpu.memory_space<vmem>> -> memref<128xf32, #tpu.memory_space<vmem>>
      %dma_start3A_420 = arith.constant 0 : i32
      %dma_start3A_421 = tpu.memref_slice %arg15[%dma_start3A_415, %dma_start3A_420] : memref<2x128xi32, #tpu.memory_space<vmem>> -> memref<1x128xi32, #tpu.memory_space<vmem>>
      %dma_start3A_422 = tpu.memref_squeeze %dma_start3A_421 : memref<1x128xi32, #tpu.memory_space<vmem>> -> memref<128xi32, #tpu.memory_space<vmem>>
      %dma_start3A_423 = arith.constant 0 : i32
      %dma_start3A_424 = tpu.memref_slice %arg17[%dma_start3A_423] : memref<10240xf32, #tpu.memory_space<vmem_shared>> -> memref<10240xf32, #tpu.memory_space<vmem_shared>>
      %dma_start3A_425 = tpu.memref_slice %arg18[%dma_start3A_416] : memref<2x!tpu.dma_semaphore, #tpu.memory_space<semaphore_mem>> -> memref<1x!tpu.dma_semaphore, #tpu.memory_space<semaphore_mem>>
      %dma_start3A_426 = tpu.memref_squeeze %dma_start3A_425 : memref<1x!tpu.dma_semaphore, #tpu.memory_space<semaphore_mem>> -> memref<!tpu.dma_semaphore, #tpu.memory_space<semaphore_mem>>
      tpu.enqueue_indirect_dma source(%dma_start3A_419 : memref<128xf32, #tpu.memory_space<vmem>>) target(%dma_start3A_424 : memref<10240xf32, #tpu.memory_space<vmem_shared>>) offsets(%dma_start3A_422 : memref<128xi32, #tpu.memory_space<vmem>>) semaphore(%dma_start3A_426 : memref<!tpu.dma_semaphore, #tpu.memory_space<semaphore_mem>>) {add = true}
    }
    %scan3A_15 = arith.constant 80 : i32
    %dma_wait3A = arith.constant 0 : i32
    %dma_wait3A_16 = arith.constant 0 : i32
    %dma_wait3A_17 = arith.constant 0 : i32
    %dma_wait3A_18 = arith.constant 0 : i32
    %dma_wait3A_19 = tpu.memref_slice %arg16[%dma_wait3A, %dma_wait3A_18] : memref<2x128xf32, #tpu.memory_space<vmem>> -> memref<1x128xf32, #tpu.memory_space<vmem>>
    %dma_wait3A_20 = tpu.memref_squeeze %dma_wait3A_19 : memref<1x128xf32, #tpu.memory_space<vmem>> -> memref<128xf32, #tpu.memory_space<vmem>>
    %dma_wait3A_21 = arith.constant 0 : i32
    %dma_wait3A_22 = tpu.memref_slice %arg15[%dma_wait3A_16, %dma_wait3A_21] : memref<2x128xi32, #tpu.memory_space<vmem>> -> memref<1x128xi32, #tpu.memory_space<vmem>>
    %dma_wait3A_23 = tpu.memref_squeeze %dma_wait3A_22 : memref<1x128xi32, #tpu.memory_space<vmem>> -> memref<128xi32, #tpu.memory_space<vmem>>
    %dma_wait3A_24 = arith.constant 0 : i32
    %dma_wait3A_25 = tpu.memref_slice %arg17[%dma_wait3A_24] : memref<10240xf32, #tpu.memory_space<vmem_shared>> -> memref<10240xf32, #tpu.memory_space<vmem_shared>>
    %dma_wait3A_26 = tpu.memref_slice %arg18[%dma_wait3A_17] : memref<2x!tpu.dma_semaphore, #tpu.memory_space<semaphore_mem>> -> memref<1x!tpu.dma_semaphore, #tpu.memory_space<semaphore_mem>>
    %dma_wait3A_27 = tpu.memref_squeeze %dma_wait3A_26 : memref<1x!tpu.dma_semaphore, #tpu.memory_space<semaphore_mem>> -> memref<!tpu.dma_semaphore, #tpu.memory_space<semaphore_mem>>
    tpu.wait_indirect_dma semaphore(%dma_wait3A_27 : memref<!tpu.dma_semaphore, #tpu.memory_space<semaphore_mem>>) src(%dma_wait3A_20 : memref<128xf32, #tpu.memory_space<vmem>>) dst(%dma_wait3A_25 : memref<10240xf32, #tpu.memory_space<vmem_shared>>)
    %dma_wait3A_28 = arith.constant 1 : i32
    %dma_wait3A_29 = arith.constant 1 : i32
    %dma_wait3A_30 = arith.constant 1 : i32
    %dma_wait3A_31 = arith.constant 0 : i32
    %dma_wait3A_32 = tpu.memref_slice %arg16[%dma_wait3A_28, %dma_wait3A_31] : memref<2x128xf32, #tpu.memory_space<vmem>> -> memref<1x128xf32, #tpu.memory_space<vmem>>
    %dma_wait3A_33 = tpu.memref_squeeze %dma_wait3A_32 : memref<1x128xf32, #tpu.memory_space<vmem>> -> memref<128xf32, #tpu.memory_space<vmem>>
    %dma_wait3A_34 = arith.constant 0 : i32
    %dma_wait3A_35 = tpu.memref_slice %arg15[%dma_wait3A_29, %dma_wait3A_34] : memref<2x128xi32, #tpu.memory_space<vmem>> -> memref<1x128xi32, #tpu.memory_space<vmem>>
    %dma_wait3A_36 = tpu.memref_squeeze %dma_wait3A_35 : memref<1x128xi32, #tpu.memory_space<vmem>> -> memref<128xi32, #tpu.memory_space<vmem>>
    %dma_wait3A_37 = arith.constant 0 : i32
    %dma_wait3A_38 = tpu.memref_slice %arg17[%dma_wait3A_37] : memref<10240xf32, #tpu.memory_space<vmem_shared>> -> memref<10240xf32, #tpu.memory_space<vmem_shared>>
    %dma_wait3A_39 = tpu.memref_slice %arg18[%dma_wait3A_30] : memref<2x!tpu.dma_semaphore, #tpu.memory_space<semaphore_mem>> -> memref<1x!tpu.dma_semaphore, #tpu.memory_space<semaphore_mem>>
    %dma_wait3A_40 = tpu.memref_squeeze %dma_wait3A_39 : memref<1x!tpu.dma_semaphore, #tpu.memory_space<semaphore_mem>> -> memref<!tpu.dma_semaphore, #tpu.memory_space<semaphore_mem>>
    tpu.wait_indirect_dma semaphore(%dma_wait3A_40 : memref<!tpu.dma_semaphore, #tpu.memory_space<semaphore_mem>>) src(%dma_wait3A_33 : memref<128xf32, #tpu.memory_space<vmem>>) dst(%dma_wait3A_38 : memref<10240xf32, #tpu.memory_space<vmem_shared>>)
    %barrier3A_41 = arith.constant 0 : index
    tpu.barrier barrier_id(%barrier3A_41)
    %eq3A = arith.constant 0 : i32
    %eq3A_42 = arith.cmpi eq, %arg1, %eq3A : i32
    %convert_element_type3A = arith.extui %eq3A_42 : i1 to i32
    %cond3A = arith.constant 0 : i32
    %cond3A_43 = arith.cmpi ne, %convert_element_type3A, %cond3A : i32
    scf.if %cond3A_43 {
      "tpu.region"() ({
        %run_scoped3A = tpu.sem_alloc : memref<!tpu.dma_semaphore, #tpu.memory_space<semaphore_mem>>
        %dma_start3A = arith.constant 0 : i32
        %dma_start3A_44 = tpu.memref_slice %arg9[%arg0, %dma_start3A] : memref<2x10240xf32, #tpu.memory_space<hbm>> -> memref<1x10240xf32, #tpu.memory_space<hbm>>
        %dma_start3A_45 = tpu.memref_squeeze %dma_start3A_44 : memref<1x10240xf32, #tpu.memory_space<hbm>> -> memref<10240xf32, #tpu.memory_space<hbm>>
        tpu.enqueue_dma source(%arg17 : memref<10240xf32, #tpu.memory_space<vmem_shared>>) target(%dma_start3A_45 : memref<10240xf32, #tpu.memory_space<hbm>>) target_semaphore(%run_scoped3A : memref<!tpu.dma_semaphore, #tpu.memory_space<semaphore_mem>>)
        %dma_wait3A_46 = arith.constant 0 : i32
        %dma_wait3A_47 = tpu.memref_slice %arg9[%arg0, %dma_wait3A_46] : memref<2x10240xf32, #tpu.memory_space<hbm>> -> memref<1x10240xf32, #tpu.memory_space<hbm>>
        %dma_wait3A_48 = tpu.memref_squeeze %dma_wait3A_47 : memref<1x10240xf32, #tpu.memory_space<hbm>> -> memref<10240xf32, #tpu.memory_space<hbm>>
        tpu.wait_dma2 semaphore(%run_scoped3A : memref<!tpu.dma_semaphore, #tpu.memory_space<semaphore_mem>>) src(%arg17 : memref<10240xf32, #tpu.memory_space<vmem_shared>>) dst(%dma_wait3A_48 : memref<10240xf32, #tpu.memory_space<hbm>>)
        tpu.yield
      }) : () -> ()
    } else {
    }
    return
  }
}

</mosaic_0001>

<sc_bundles>
// kernel: _pass_a.3.cloned.1.call-start
scs
__scs_entry_jumppad:
0x0: {  	(pc) =	sbr.rel $0x88, $3  }
0x1: {  	(tag) =	ssettag $0x0;
	lr =	simm.s32 $0x1  }
0x2: {  	[smem:$0x3F9B] =	sst lr;
	_ =	strace $0xD0000000  }
0x3: {  	_ = 	snop  }
0x4: {  	_ = 	snop  }
0x5: {  	_ = 	snop  }
0x6: {  	_ = 	snop  }
0x7: {  	_ = 	snop  }
__scs_overlays_trampoline_lowered:
0x8: {  	[smem:$0x3FAA] =	sst s0  }
0x9: {  	[smem:$0x3FAB] =	sst s1  }
0xa: {  	[smem:$0x3FAC] =	sst s2  }
0xb: {  	[smem:$0x3FAD] =	sst s3  }
0xc: {  	[smem:$0x3FAE] =	sst s4  }
0xd: {  	[smem:$0x3FAF] =	sst s5  }
0xe: {  	[smem:$0x3FB0] =	sst s6  }
0xf: {  	[smem:$0x3FB1] =	sst s7  }
0x10: {  	[smem:$0x3FB2] =	sst s8  }
0x11: {  	[smem:$0x3FB3] =	sst s9;
	s0 =	simm.s32 @!p0 $0x0  }
0x12: {  	s1 =	sld [smem:$0x3F99];
	s0 =	simm.s32 @p0 $0x1  }
0x13: {  	[smem:$0x3FB4] =	sst s0;
	s0 =	simm.s32 @!p1 $0x0  }
0x14: {  	s2 =	sld [smem:$0x3F98];
	s0 =	simm.s32 @p1 $0x1  }
0x15: {  	[smem:$0x3FB5] =	sst s0;
	s0 =	simm.s32 @!p2 $0x0  }
0x16: {  	s3 =	sld [smem:$0x3FDB];
	s0 =	simm.s32 @p2 $0x1  }
0x17: {  	s4 =	simm.s32 $0x1BF5;
	[smem:$0x3FB7] =	sst s0  }
0x18: {  	s0 =	sld [smem:$0x3F9A];
	_ =	swait.ge [sflag:s4], $0x0  }
0x19: {  	s7 =	sld [smem:$0x3F9B]  }
0x1a: {  	s8 =	sadd.s32 $0xFFFFE003, lr  }
0x1b: {  	s9 =	sadd.s32 $0xFFFFFEF7, lr;
	s5 =	simm.s32 $0xFFFFFFFF;
	p2 =	slt.u32 s8, $0xFFFFF086  }
0x1c: {  	p1 =	slt.u32 s9, $0xF7A;
	s5 =	simm.s32 @!p2 $0x0  }
0x1d: {  	s5 =	simm.s32 @p1 $0x1;
	p0 =	seq.s32 s7, s2  }
0x1e: {  	s7 =	smul.u32 @!p0 $0xF7A, s2;
	p2 =	seq.s32 @!p0 s5, $0x0  }
0x1f: {  	s9 =	smul.u32 $0xF7A, s1;
	s8 =	simm.s32 @!p0 $0x1BF5;
	p2 =	por !p2, p0  }
0x20: {  	[sflag:s8] =	ssyncset.s32 @!p0 $0xFFFFF086;
	s6 =	sadd.s32 @!p0 s3, s7;
	s7 =	simm.s32 @!p0 $0x108  }
0x21: {  	s3 =	sadd.s32 s3, s9;
	s6 =	sadd.s32 @!p0 $0x88, s6;
	s7 =	simm.s32 @p2 $0x1082  }
0x22: {  	[simem:s7], [sflag:s8] =	dma.local @!p0 [hbm:s6], $0xF7A  }
0x23: {  	s9 =	sor.u32 $0xD0000000, s2;
	s6 =	simm.s32 $0x108;
	_ =	swait.ge @!p0 [sflag:s8], $0x0  }
0x24: {  	s3 =	sadd.s32 $0x88, s3;
	s6 =	simm.s32 @!p1 $0x1082;
	[sflag:s4] =	ssyncset.s32 $0xFFFFF086  }
0x25: {  	[simem:s6], [sflag:s4] =	dma.local [hbm:s3], $0xF7A  }
0x26: {  	[smem:$0x3F9B] =	sst s1;
	(tag) =	ssettag s2;
	_ =	strace s9  }
0x27: {  	s1 =	sld [smem:$0x3FAB]  }
0x28: {  	s2 =	sld [smem:$0x3FAC]  }
0x29: {  	s4 =	sld [smem:$0x3FAE]  }
0x2a: {  	p0 =	seq.s32 s5, $0x0;
	s5 =	sld [smem:$0x3FAF]  }
0x2b: {  	s6 =	sld [smem:$0x3FB0]  }
0x2c: {  	s7 =	sld [smem:$0x3FB1]  }
0x2d: {  	s3 =	simm.s32 $0x108;
	s8 =	sld [smem:$0x3FB2]  }
0x2e: {  	s3 =	simm.s32 @!p0 $0x1082;
	s9 =	sld [smem:$0x3FB3]  }
0x2f: {  	lr =	sadd.s32 s0, s3;
	s0 =	sld [smem:$0x3FAA]  }
0x30: {  	s3 =	sld [smem:$0x3FAD]  }
0x31: {  	[smem:$0x3FB6] =	sst s10  }
0x32: {  	s10 =	sld [smem:$0x3FB4];
	_ =	sdelay $0x3  }
0x33: {  	p0 =	seq.s32 s10, $0x1;
	s10 =	sld [smem:$0x3FB6];
	_ =	sdelay $0x3  }
0x34: {  	[smem:$0x3FB6] =	sst s10  }
0x35: {  	s10 =	sld [smem:$0x3FB5];
	_ =	sdelay $0x3  }
0x36: {  	p1 =	seq.s32 s10, $0x1;
	s10 =	sld [smem:$0x3FB6];
	_ =	sdelay $0x3  }
0x37: {  	[smem:$0x3FB6] =	sst s10  }
0x38: {  	s10 =	sld [smem:$0x3FB7]  }
0x39: {  	_ = 	snop;
	(pc) =	sbr.ind lr, $3  }
0x3a: {  	_ = 	snop  }
0x3b: {  	_ = 	snop  }
0x3c: {  	p2 =	seq.s32 s10, $0x1;
	s10 =	sld [smem:$0x3FB6]  }
0x3d: {  	_ =	shalt  }
0x3e: {  	_ =	shalt  }
0x3f: {  	_ =	shalt  }
0x40: {  	_ =	shalt  }
0x41: {  	_ =	shalt  }
0x42: {  	_ =	shalt  }
0x43: {  	_ =	shalt  }
0x44: {  	_ =	shalt  }
0x45: {  	_ =	shalt  }
0x46: {  	_ =	shalt  }
0x47: {  	_ =	shalt  }
0x48: {  	_ =	shalt  }
0x49: {  	_ =	shalt  }
0x4a: {  	_ =	shalt  }
0x4b: {  	_ =	shalt  }
0x4c: {  	_ =	shalt  }
0x4d: {  	_ =	shalt  }
0x4e: {  	_ =	shalt  }
0x4f: {  	_ =	shalt  }
0x50: {  	_ =	shalt  }
0x51: {  	_ =	shalt  }
0x52: {  	_ =	shalt  }
0x53: {  	_ =	shalt  }
0x54: {  	_ =	shalt  }
0x55: {  	_ =	shalt  }
0x56: {  	_ =	shalt  }
0x57: {  	_ =	shalt  }
0x58: {  	_ =	shalt  }
0x59: {  	_ =	shalt  }
0x5a: {  	_ =	shalt  }
0x5b: {  	_ =	shalt  }
0x5c: {  	_ =	shalt  }
0x5d: {  	_ =	shalt  }
0x5e: {  	_ =	shalt  }
0x5f: {  	_ =	shalt  }
0x60: {  	_ =	shalt  }
0x61: {  	_ =	shalt  }
0x62: {  	_ =	shalt  }
0x63: {  	_ =	shalt  }
0x64: {  	_ =	shalt  }
0x65: {  	_ =	shalt  }
0x66: {  	_ =	shalt  }
0x67: {  	_ =	shalt  }
0x68: {  	_ =	shalt  }
0x69: {  	_ =	shalt  }
0x6a: {  	_ =	shalt  }
0x6b: {  	_ =	shalt  }
0x6c: {  	_ =	shalt  }
0x6d: {  	_ =	shalt  }
0x6e: {  	_ =	shalt  }
0x6f: {  	_ =	shalt  }
0x70: {  	_ =	shalt  }
0x71: {  	_ =	shalt  }
0x72: {  	_ =	shalt  }
0x73: {  	_ =	shalt  }
0x74: {  	_ =	shalt  }
0x75: {  	_ =	shalt  }
0x76: {  	_ =	shalt  }
0x77: {  	_ =	shalt  }
0x78: {  	_ =	shalt  }
0x79: {  	_ =	shalt  }
0x7a: {  	_ =	shalt  }
0x7b: {  	_ =	shalt  }
0x7c: {  	_ =	shalt  }
0x7d: {  	_ =	shalt  }
0x7e: {  	_ =	shalt  }
0x7f: {  	_ =	shalt  }
0x80: {  	_ =	shalt  }
0x81: {  	_ =	shalt  }
0x82: {  	_ =	shalt  }
0x83: {  	_ =	shalt  }
0x84: {  	_ =	shalt  }
0x85: {  	_ =	shalt  }
0x86: {  	_ =	shalt  }
0x87: {  	_ =	shalt  }
.Lfunc_end0:
.L_simem_size_0:
called_computation_lowered:
.L_overlay_start_0:
0x88: {  	s2 =	sld [smem:$0x3FD9]  }
0x89: {  	s3 =	sld [smem:$0x3FFE];
	_ =	sdelay $0x1  }
0x8a: {  	s1 =	srdreg.scid  }
0x8b: {  	s0 =	sand.u32 $0x1, s1  }
0x8c: {  	s14 =	sshll.u32 s0, $0xA;
	s2 =	sadd.s32 s3, s2  }
0x8d: {  	s2 =	sadd.s32 s2, s14  }
0x8e: {  	[smem:$0x3FC2] =	sst s2  }
0x8f: {  	_ = 	snop  }
0x90: {  	s2 =	sld [smem:$0x3FC9]  }
0x91: {  	s15 =	sld [smem:$0x3FC8]  }
0x92: {  	s4 =	sld [smem:$0x3FC7]  }
0x93: {  	s5 =	sld [smem:$0x3FD0]  }
0x94: {  	s6 =	sld [smem:$0x3FC6]  }
0x95: {  	s7 =	sld [smem:$0x3FC5]  }
0x96: {  	s9 =	simm.s32 $0xA;
	s10 =	simm.s32 $0x10;
	s8 =	sld [smem:$0x3FC4]  }
0x97: {  	[smem:s10], [sflag:s9] =	dma.local [hbm:s5], $0x1  }
0x98: {  	_ =	swait.eq [sflag:s9], $0x1  }
0x99: {  	[sflag:s9] =	ssyncset.done $0x0  }
0x9a: {  	[sflag:s9] =	ssyncadd.s32 $0xFFFFFFFF  }
0x9b: {  	s16 =	sld [smem:$0x10];
	(tm) =	ssettm $0x1  }
0x9c: {  	s17 =	sld [smem:$0x3FFB];
	_ =	sdelay $0x3  }
0x9d: {  	_ =	strace s17  }
0x9e: {  	s9 =	sld [smem:$0x3FFC];
	_ =	sdelay $0x3  }
0x9f: {  	_ =	strace s9  }
0xa0: {  	s9 =	sld [smem:$0x3FFD];
	_ =	sdelay $0x3  }
0xa1: {  	_ =	strace s9  }
0xa2: {  	_ =	strace $0x8FFFFFFF  }
0xa3: {  	s18 =	sld [smem:$0x3FDB];
	_ =	sdelay $0x1  }
0xa4: {  	s19 =	simm.s32 $_scs_section_size  }
0xa5: {  	s11 =	simm.s32 $_size__tile_overlayer_lowered;
	s12 =	simm.s32 $_tile_overlayer_lowered  }
0xa6: {  	s22 =	simm.s32 $0x1BFF;
	s21 =	sshll.u32 s12, $0x1;
	s9 =	sadd.s32 s19, s18  }
0xa7: {  	s13 =	simm.s32 $0x0;
	s20 =	sshll.u32 s11, $0x1;
	s11 =	sadd.s32 s21, s9  }
0xa8: {  	[timem:s13], [sflag:s22] =	dma.local [hbm:s11], s20  }
0xa9: {  	_ =	swait.ge [sflag:s22], s20  }
0xaa: {  	s10 =	ssub.s32 $0x0, s20;
	[sflag:s22] =	ssyncset.done $0x0  }
0xab: {  	[sflag:s22] =	ssyncadd.s32 s10;
	_ =	sdelay $0x1  }
0xac: {  	s23 =	simm.s32 $0x1B8B  }
0xad: {  	_ =	swait.ge [sflag:s23], $0x1  }
0xae: {  	[sflag:s23] =	ssyncset.done $0x0  }
0xaf: {  	s25 =	simm.s32 $0x1B8E;
	s24 =	sld [smem:$0x3FFE];
	[sflag:s23] =	ssyncadd.s32 $0xFFFFFFFF  }
0xb0: {  	s26 =	simm.s32 $execute0_lowered;
	[smem:$0x3FD2] =	sst s25  }
0xb1: {  	s11 =	sshll.u32 s26, $0x1;
	_ =	strace $0x80000046;
	[dreg:$0x1] =	wrdreg $0xFFFFFFFF  }
0xb2: {  	s28 =	simm.s32 $_size_execute0_lowered;
	s9 =	sadd.s32 s9, s11;
	[dreg:$0x0] =	wrdreg $0x0  }
0xb3: {  	s11 =	sshll.u32 s28, $0x1;
	[dreg:$0x2] =	wrdreg s9  }
0xb4: {  	[dreg:$0x3] =	wrdreg s11  }
0xb5: {  	[dreg:$0x4] =	wrdreg $0xC0  }
0xb6: {  	_ =	task [dreg:s13], $0x5FFFF  }
0xb7: {  	[dreg:$0x1] =	wrdreg $0xFFFFFFFF  }
0xb8: {  	[dreg:$0x0] =	wrdreg $0x60  }
0xb9: {  	[dreg:$0x2] =	wrdreg s2  }
0xba: {  	[dreg:$0x3] =	wrdreg s15  }
0xbb: {  	[dreg:$0x4] =	wrdreg s4  }
0xbc: {  	[dreg:$0x5] =	wrdreg s6  }
0xbd: {  	[dreg:$0x6] =	wrdreg s7  }
0xbe: {  	[dreg:$0x7] =	wrdreg s8  }
0xbf: {  	[dreg:$0x8] =	wrdreg s16  }
0xc0: {  	[dreg:$0x9] =	wrdreg s24  }
0xc1: {  	[dreg:$0xa] =	wrdreg $0x142000  }
0xc2: {  	[dreg:$0xb] =	wrdreg $0x9  }
0xc3: {  	_ =	task.clear_ibuf [dreg:s13], $0xCFFFF;
	_ =	strace $0x90000046  }
0xc4: {  	s29 =	simm.s32 $0x9;
	_ =	strace $0x80000048  }
0xc5: {  	_ =	swait.ge [sflag:s29], $0x1  }
0xc6: {  	[sflag:s29] =	ssyncadd.s32 $0xFFFFFFFF  }
0xc7: {  	_ =	strace $0x90000048  }
0xc8: {  	_ =	sfence  }
0xc9: {  	s30 =	sld [smem:$0x0];
	_ =	sdelay $0x2  }
0xca: {  	s31 =	sshll.u32 s1, $0xD;
	s1 =	sshrl.u32 s1, $0x2  }
0xcb: {  	s3 =	sand.u32 $0x4000, s31;
	s1 =	sadd.s32 s1, s30  }
0xcc: {  	s0 =	sor.u32 s3, s0;
	s1 =	sshll.u32 s1, $0x11  }
0xcd: {  	s0 =	sor.u32 s1, s0  }
0xce: {  	s0 =	sadd.s32 $0x8F2B, s0  }
0xcf: {  	[sflag:s0] =	ssyncadd.remote.s32 $0x1  }
0xd0: {  	_ =	sfence.sel $0xFFFF  }
0xd1: {  	[dreg:$0x0] =	wrdreg $0xFFFFFFFF;
	(pc) =	sbr.abs _section_cstart, $3  }
0xd2: {  	[dreg:$0x1] =	wrdreg $0xFFFFFFFF  }
0xd3: {  	_ =	task.clear_ibuf [dreg:s13], $0x2FFFF;
	_ =	strace $0x9FFFFFFF  }
0xd4: {  	(tm) =	ssettm $0x7FFFFFFF  }
0xd5: {  	_ =	shalt  }
tec
execute0_lowered:
.L_overlay_start_1:
0x0: {  	(tag) =	ssettag $0x1  }
0x1: {  	s6 =	rddreg [dreg:$0x0]  }
0x2: {  	s7 =	rddreg [dreg:$0x1]  }
0x3: {  	s8 =	rddreg [dreg:$0x2]  }
0x4: {  	s0 =	rddreg [dreg:$0x3]  }
0x5: {  	s2 =	rddreg [dreg:$0x4]  }
0x6: {  	s5 =	rddreg [dreg:$0x5]  }
0x7: {  	s9 =	rddreg [dreg:$0x6]  }
0x8: {  	s10 =	rddreg [dreg:$0x7]  }
0x9: {  	s3 =	rddreg [dreg:$0x8]  }
0xa: {  	s1 =	rddreg [dreg:$0x9];
	s4 =	simm.s32 $0x0;
	s11 =	srdreg.scid  }
0xb: {  	s24 =	stileid.u32;
	s17 =	simm.s32 $0xA000;
	s18 =	simm.s32 $0xF000  }
0xc: {  	s19 =	simm.s32 $0x80;
	s20 =	simm.s32 $0x14000;
	s21 =	simm.s32 $0x14100  }
0xd: {  	s22 =	simm.s32 $0x14080;
	s23 =	simm.s32 $0x14180;
	s25 =	simm.s32 $0x2  }
0xe: {  	s26 =	simm.s32 $0x0;
	[smem:$0x7FF] =	sst s4;
	s11 =	sand.u32 $0x1, s11  }
0xf: {  	s13 =	sshll.u32 s24, $0x1;
	s15 =	smul.u32 $0x280, s24;
	s31 =	sshll.u32 s24, $0x6  }
0x10: {  	p0 =	sne.s32 s24, $0x0;
	s24 =	simm.s32 $0x1;
	_ =	strace $0x80000047  }
0x11: {  	s12 =	smul.u32 $0x500, s11;
	s14 =	ssub.s32 $0x2, s11;
	s11 =	sor.u32 s11, s13  }
0x12: {  	s13 =	simm.s32 $0x2800;
	s29 =	sshrl.u32 s14, $0x1;
	s11 =	smul.u32 $0xA00, s11  }
0x13: {  	s16 =	sadd.s32 s15, s3;
	s30 =	sshrl.u32 s15, $0x3;
	s10 =	sadd.s32 s12, s10  }
0x14: {  	s12 =	ssub.s32 s14, s29;
	s5 =	sadd.s32 s5, s30;
	s14 =	sor.u32 $0x1C03, s31  }
0x15: {  	s15 =	sshrl.u32 s16, $0x3;
	s16 =	simm.s32 $0x5000;
	s6 =	sadd.s32 s6, s11  }
0x16: {  	s7 =	sadd.s32 s7, s11;
	s8 =	sadd.s32 s8, s11;
	s9 =	sadd.s32 s9, s11  }
0x17: {  	s10 =	sadd.s32 $0x800, s10;
	s11 =	smax.u32 s12, $0x1;
	s12 =	simm.s32 $0x3  }
.LBB2_1:
0x18: {  	[tilespmem:s4], [sflag:$0x3] =	stream.linear.gather [hbm4b:s0+s4], $0x2800, $0x38;
	[tilespmem:$0x14480] =	vst v63  }
0x19: {  	_ =	swait.ge [sflag:s12], $0x2800  }
0x1a: {  	[sflag:s12] =	ssyncset.done $0x0  }
0x1b: {  	[sflag:s12] =	ssyncadd.s32 $0xFFFFD800  }
0x1c: {  	[tilespmem:s13], [sflag:$0x3] =	stream.linear.gather [hbm4b:s2+s4], $0x2800, $0x38;
	[tilespmem:$0x14480] =	vst v63  }
0x1d: {  	_ =	swait.ge [sflag:s12], $0x2800  }
0x1e: {  	[sflag:s12] =	ssyncset.done $0x0  }
0x1f: {  	[sflag:s12] =	ssyncadd.s32 $0xFFFFD800  }
0x20: {  	[spmem:s15], [sflag:s14] =	dma.local [hbm:s5], $0x50  }
0x21: {  	_ =	swait.ge [sflag:s12], $0x50  }
0x22: {  	[sflag:s12] =	ssyncset.done $0x0  }
0x23: {  	[sflag:s12] =	ssyncadd.s32 $0xFFFFFFB0  }
0x24: {  	[bflag:$0x0] =	sbarrier.arrive $0xFFFF  }
0x25: {  	[tilespmem:s16], [sflag:$0x3] =	stream.linear.gather [hbm4b:s6+s4], $0x5000, $0x38;
	[tilespmem:$0x14480] =	vst v63  }
0x26: {  	_ =	swait.ge [sflag:s12], $0x5000  }
0x27: {  	[sflag:s12] =	ssyncset.done $0x0  }
0x28: {  	[sflag:s12] =	ssyncadd.s32 $0xFFFFB000  }
0x29: {  	[tilespmem:s17], [sflag:$0x3] =	stream.linear.gather [hbm4b:s7+s4], $0x5000, $0x38;
	[tilespmem:$0x14480] =	vst v63  }
0x2a: {  	_ =	swait.ge [sflag:s12], $0x5000  }
0x2b: {  	[sflag:s12] =	ssyncset.done $0x0  }
0x2c: {  	[sflag:s12] =	ssyncadd.s32 $0xFFFFB000  }
0x2d: {  	[tilespmem:s18], [sflag:$0x3] =	stream.linear.gather [hbm4b:s8+s4], $0x5000, $0x38;
	[tilespmem:$0x14480] =	vst v63  }
0x2e: {  	_ =	swait.ge [sflag:s12], $0x5000  }
0x2f: {  	[sflag:s12] =	ssyncset.done $0x0  }
0x30: {  	s28 =	simm.s32 $0x0;
	[sflag:s12] =	ssyncadd.s32 $0xFFFFB000  }
0x31: {  	v0 =	vld [tilespmem:s28+$0x5000]  }
0x32: {  	v1 =	vld [tilespmem:s28+$0xA000];
	_ =	sdelay $0x6  }
0x33: {  	v0 =	vld.idx.msk [tilespmem:v0+s4+$0x0], $0xffff  }
0x34: {  	v1 =	vld.idx.msk [tilespmem:v1+s13+$0x0], $0xffff;
	_ =	sdelay $0x1  }
0x35: {  	v2 =	vld [tilespmem:s28+$0xF000];
	_ =	sdelay $0x2  }
0x36: {  	v0 =	vadd.f32 v1, v0;
	_ =	sdelay $0x1  }
0x37: {  	v0 =	vadd.f32 v2, v0;
	_ =	sdelay $0x1  }
0x38: {  	v29 =	vmul.f32 $2.000000030e-01, v0  }
0x39: {  	vm0 =	vgt.f32 v0, $0.0e+00  }
0x3a: {  	v0 =	vsel vm0, v0, v29  }
0x3b: {  	v0 =	vmul.f32 $1.442695020e+00, v0;
	_ =	sdelay $0x1  }
0x3c: {  	(erf) = vpow2.f32 v0;
	_ =	sdelay $0x2  }
0x3d: {  	v30 =	vld [tilespmem:s28+$0x5010]  }
0x3e: {  	v31 =	vld [tilespmem:s28+$0xA010];
	_ =	sdelay $0x4  }
0x3f: {  	v32 =	vpop (erf)  }
0x40: {  	[tilespmem:s28+$0xF000] =	vst v32  }
0x41: {  	v0 =	vld.idx.msk [tilespmem:v30+s4+$0x0], $0xffff  }
0x42: {  	v1 =	vld.idx.msk [tilespmem:v31+s13+$0x0], $0xffff;
	_ =	sdelay $0x1  }
0x43: {  	v33 =	vld [tilespmem:s28+$0xF010];
	_ =	sdelay $0x2  }
0x44: {  	v0 =	vadd.f32 v1, v0;
	_ =	sdelay $0x1  }
0x45: {  	v0 =	vadd.f32 v33, v0;
	_ =	sdelay $0x1  }
0x46: {  	v34 =	vmul.f32 $2.000000030e-01, v0  }
0x47: {  	vm9 =	vgt.f32 v0, $0.0e+00  }
0x48: {  	v0 =	vsel vm9, v0, v34  }
0x49: {  	v0 =	vmul.f32 $1.442695020e+00, v0;
	_ =	sdelay $0x1  }
0x4a: {  	(erf) = vpow2.f32 v0;
	_ =	sdelay $0x2  }
0x4b: {  	v35 =	vld [tilespmem:s28+$0x5020]  }
0x4c: {  	v36 =	vld [tilespmem:s28+$0xA020];
	_ =	sdelay $0x4  }
0x4d: {  	v37 =	vpop (erf)  }
0x4e: {  	[tilespmem:s28+$0xF010] =	vst v37  }
0x4f: {  	v0 =	vld.idx.msk [tilespmem:v35+s4+$0x0], $0xffff  }
0x50: {  	v1 =	vld.idx.msk [tilespmem:v36+s13+$0x0], $0xffff;
	_ =	sdelay $0x1  }
0x51: {  	v38 =	vld [tilespmem:s28+$0xF020];
	_ =	sdelay $0x2  }
0x52: {  	v0 =	vadd.f32 v1, v0;
	_ =	sdelay $0x1  }
0x53: {  	v0 =	vadd.f32 v38, v0;
	_ =	sdelay $0x1  }
0x54: {  	v39 =	vmul.f32 $2.000000030e-01, v0  }
0x55: {  	vm10 =	vgt.f32 v0, $0.0e+00  }
0x56: {  	v0 =	vsel vm10, v0, v39  }
0x57: {  	v0 =	vmul.f32 $1.442695020e+00, v0;
	_ =	sdelay $0x1  }
0x58: {  	(erf) = vpow2.f32 v0;
	_ =	sdelay $0x2  }
0x59: {  	v40 =	vld [tilespmem:s28+$0x5030]  }
0x5a: {  	v41 =	vld [tilespmem:s28+$0xA030];
	_ =	sdelay $0x4  }
0x5b: {  	v42 =	vpop (erf)  }
0x5c: {  	[tilespmem:s28+$0xF020] =	vst v42  }
0x5d: {  	v0 =	vld.idx.msk [tilespmem:v40+s4+$0x0], $0xffff  }
0x5e: {  	v1 =	vld.idx.msk [tilespmem:v41+s13+$0x0], $0xffff;
	_ =	sdelay $0x1  }
0x5f: {  	v43 =	vld [tilespmem:s28+$0xF030];
	_ =	sdelay $0x2  }
0x60: {  	v0 =	vadd.f32 v1, v0;
	_ =	sdelay $0x1  }
0x61: {  	v0 =	vadd.f32 v43, v0;
	_ =	sdelay $0x1  }
0x62: {  	v44 =	vmul.f32 $2.000000030e-01, v0  }
0x63: {  	vm11 =	vgt.f32 v0, $0.0e+00  }
0x64: {  	v0 =	vsel vm11, v0, v44  }
0x65: {  	v0 =	vmul.f32 $1.442695020e+00, v0;
	_ =	sdelay $0x1  }
0x66: {  	(erf) = vpow2.f32 v0;
	_ =	sdelay $0x2  }
0x67: {  	v45 =	vld [tilespmem:s28+$0x5040]  }
0x68: {  	v46 =	vld [tilespmem:s28+$0xA040];
	_ =	sdelay $0x4  }
0x69: {  	v47 =	vpop (erf)  }
0x6a: {  	[tilespmem:s28+$0xF030] =	vst v47  }
0x6b: {  	v0 =	vld.idx.msk [tilespmem:v45+s4+$0x0], $0xffff  }
0x6c: {  	v1 =	vld.idx.msk [tilespmem:v46+s13+$0x0], $0xffff;
	_ =	sdelay $0x1  }
0x6d: {  	v48 =	vld [tilespmem:s28+$0xF040];
	_ =	sdelay $0x2  }
0x6e: {  	v0 =	vadd.f32 v1, v0;
	_ =	sdelay $0x1  }
0x6f: {  	v0 =	vadd.f32 v48, v0;
	_ =	sdelay $0x1  }
0x70: {  	v49 =	vmul.f32 $2.000000030e-01, v0  }
0x71: {  	vm12 =	vgt.f32 v0, $0.0e+00  }
0x72: {  	v0 =	vsel vm12, v0, v49  }
0x73: {  	v0 =	vmul.f32 $1.442695020e+00, v0;
	_ =	sdelay $0x1  }
0x74: {  	(erf) = vpow2.f32 v0;
	_ =	sdelay $0x2  }
0x75: {  	v50 =	vld [tilespmem:s28+$0x5050]  }
0x76: {  	v51 =	vld [tilespmem:s28+$0xA050];
	_ =	sdelay $0x4  }
0x77: {  	v3 =	vpop (erf)  }
0x78: {  	[tilespmem:s28+$0xF040] =	vst v3  }
0x79: {  	v0 =	vld.idx.msk [tilespmem:v50+s4+$0x0], $0xffff  }
0x7a: {  	v1 =	vld.idx.msk [tilespmem:v51+s13+$0x0], $0xffff;
	_ =	sdelay $0x1  }
0x7b: {  	v52 =	vld [tilespmem:s28+$0xF050];
	_ =	sdelay $0x2  }
0x7c: {  	v0 =	vadd.f32 v1, v0;
	_ =	sdelay $0x1  }
0x7d: {  	v0 =	vadd.f32 v52, v0;
	_ =	sdelay $0x1  }
0x7e: {  	v53 =	vmul.f32 $2.000000030e-01, v0  }
0x7f: {  	vm13 =	vgt.f32 v0, $0.0e+00  }
0x80: {  	v0 =	vsel vm13, v0, v53  }
0x81: {  	v0 =	vmul.f32 $1.442695020e+00, v0;
	_ =	sdelay $0x1  }
0x82: {  	(erf) = vpow2.f32 v0;
	_ =	sdelay $0x2  }
0x83: {  	v54 =	vld [tilespmem:s28+$0x5060]  }
0x84: {  	v55 =	vld [tilespmem:s28+$0xA060];
	_ =	sdelay $0x4  }
0x85: {  	v57 =	vpop (erf)  }
0x86: {  	[tilespmem:s28+$0xF050] =	vst v57  }
0x87: {  	v0 =	vld.idx.msk [tilespmem:v54+s4+$0x0], $0xffff  }
0x88: {  	v1 =	vld.idx.msk [tilespmem:v55+s13+$0x0], $0xffff;
	_ =	sdelay $0x1  }
0x89: {  	v56 =	vld [tilespmem:s28+$0xF060];
	_ =	sdelay $0x2  }
0x8a: {  	v0 =	vadd.f32 v1, v0;
	_ =	sdelay $0x1  }
0x8b: {  	v0 =	vadd.f32 v56, v0;
	_ =	sdelay $0x1  }
0x8c: {  	v58 =	vmul.f32 $2.000000030e-01, v0  }
0x8d: {  	vm14 =	vgt.f32 v0, $0.0e+00  }
0x8e: {  	v0 =	vsel vm14, v0, v58  }
0x8f: {  	v0 =	vmul.f32 $1.442695020e+00, v0;
	_ =	sdelay $0x1  }
0x90: {  	(erf) = vpow2.f32 v0;
	_ =	sdelay $0x2  }
0x91: {  	v59 =	vld [tilespmem:s28+$0x5070]  }
0x92: {  	v60 =	vld [tilespmem:s28+$0xA070];
	_ =	sdelay $0x4  }
0x93: {  	v62 =	vpop (erf)  }
0x94: {  	[tilespmem:s28+$0xF060] =	vst v62  }
0x95: {  	v0 =	vld.idx.msk [tilespmem:v59+s4+$0x0], $0xffff  }
0x96: {  	v1 =	vld.idx.msk [tilespmem:v60+s13+$0x0], $0xffff;
	_ =	sdelay $0x1  }
0x97: {  	v61 =	vld [tilespmem:s28+$0xF070];
	_ =	sdelay $0x2  }
0x98: {  	v0 =	vadd.f32 v1, v0;
	_ =	sdelay $0x1  }
0x99: {  	v0 =	vadd.f32 v61, v0;
	_ =	sdelay $0x1  }
0x9a: {  	v63 =	vmul.f32 $2.000000030e-01, v0  }
0x9b: {  	vm15 =	vgt.f32 v0, $0.0e+00  }
0x9c: {  	v0 =	vsel vm15, v0, v63  }
0x9d: {  	v0 =	vmul.f32 $1.442695020e+00, v0;
	_ =	sdelay $0x1  }
0x9e: {  	s29 =	simm.s32 $0x200;
	s30 =	simm.s32 $0x400;
	(erf) = vpow2.f32 v0  }
.LBB2_2:
0x9f: {  	p1 =	sne.s32 s30, $0x13E00  }
0xa0: {  	s31 =	sshra.s32 s29, $0x2;
	s29 =	smov.u32 s30;
	s30 =	sadd.s32 $0x200, s30  }
0xa1: {  	v0 =	vld [tilespmem:s31+$0x5000]  }
0xa2: {  	v1 =	vld [tilespmem:s31+$0xA000];
	_ =	sdelay $0x4  }
0xa3: {  	v2 =	vpop (erf)  }
0xa4: {  	[tilespmem:s28+$0xF070] =	vst v2;
	s28 =	smov.u32 s31  }
0xa5: {  	v0 =	vld.idx.msk [tilespmem:v0+s4+$0x0], $0xffff  }
0xa6: {  	v1 =	vld.idx.msk [tilespmem:v1+s13+$0x0], $0xffff;
	_ =	sdelay $0x1  }
0xa7: {  	v2 =	vld [tilespmem:s28+$0xF000];
	_ =	sdelay $0x3  }
0xa8: {  	v0 =	vadd.f32 v1, v0;
	_ =	sdelay $0x1  }
0xa9: {  	v0 =	vadd.f32 v2, v0;
	_ =	sdelay $0x1  }
0xaa: {  	vm0 =	vgt.f32 v0, $0.0e+00;
	v1 =	vmul.f32 $2.000000030e-01, v0;
	_ =	sdelay $0x1  }
0xab: {  	v0 =	vsel vm0, v0, v1  }
0xac: {  	v0 =	vmul.f32 $1.442695020e+00, v0;
	_ =	sdelay $0x1  }
0xad: {  	(erf) = vpow2.f32 v0;
	_ =	sdelay $0x1  }
0xae: {  	v0 =	vld [tilespmem:s28+$0xA010]  }
0xaf: {  	v1 =	vld [tilespmem:s28+$0x5010];
	_ =	sdelay $0x5  }
0xb0: {  	v2 =	vpop (erf)  }
0xb1: {  	[tilespmem:s28+$0xF000] =	vst v2  }
0xb2: {  	v1 =	vld.idx.msk [tilespmem:v1+s4+$0x0], $0xffff  }
0xb3: {  	v0 =	vld.idx.msk [tilespmem:v0+s13+$0x0], $0xffff  }
0xb4: {  	v2 =	vld [tilespmem:s28+$0xF010];
	_ =	sdelay $0x4  }
0xb5: {  	v0 =	vadd.f32 v0, v1;
	_ =	sdelay $0x1  }
0xb6: {  	v0 =	vadd.f32 v2, v0;
	_ =	sdelay $0x1  }
0xb7: {  	vm0 =	vgt.f32 v0, $0.0e+00;
	v1 =	vmul.f32 $2.000000030e-01, v0;
	_ =	sdelay $0x1  }
0xb8: {  	v0 =	vsel vm0, v0, v1  }
0xb9: {  	v0 =	vmul.f32 $1.442695020e+00, v0;
	_ =	sdelay $0x1  }
0xba: {  	(erf) = vpow2.f32 v0;
	_ =	sdelay $0x1  }
0xbb: {  	v0 =	vld [tilespmem:s28+$0xA020]  }
0xbc: {  	v1 =	vld [tilespmem:s28+$0x5020];
	_ =	sdelay $0x5  }
0xbd: {  	v2 =	vpop (erf)  }
0xbe: {  	[tilespmem:s28+$0xF010] =	vst v2;
	v2 =	vld [tilespmem:s28+$0xF020]  }
0xbf: {  	v1 =	vld.idx.msk [tilespmem:v1+s4+$0x0], $0xffff  }
0xc0: {  	v0 =	vld.idx.msk [tilespmem:v0+s13+$0x0], $0xffff;
	_ =	sdelay $0x5  }
0xc1: {  	v0 =	vadd.f32 v0, v1;
	_ =	sdelay $0x1  }
0xc2: {  	v0 =	vadd.f32 v2, v0;
	_ =	sdelay $0x1  }
0xc3: {  	vm0 =	vgt.f32 v0, $0.0e+00;
	v1 =	vmul.f32 $2.000000030e-01, v0;
	_ =	sdelay $0x1  }
0xc4: {  	v0 =	vsel vm0, v0, v1  }
0xc5: {  	v0 =	vmul.f32 $1.442695020e+00, v0;
	_ =	sdelay $0x1  }
0xc6: {  	(erf) = vpow2.f32 v0;
	_ =	sdelay $0x1  }
0xc7: {  	v0 =	vld [tilespmem:s28+$0xA030]  }
0xc8: {  	v1 =	vld [tilespmem:s28+$0x5030];
	_ =	sdelay $0x5  }
0xc9: {  	v2 =	vpop (erf)  }
0xca: {  	[tilespmem:s28+$0xF020] =	vst v2;
	v2 =	vld [tilespmem:s28+$0xF030]  }
0xcb: {  	v1 =	vld.idx.msk [tilespmem:v1+s4+$0x0], $0xffff  }
0xcc: {  	v0 =	vld.idx.msk [tilespmem:v0+s13+$0x0], $0xffff;
	_ =	sdelay $0x5  }
0xcd: {  	v0 =	vadd.f32 v0, v1;
	_ =	sdelay $0x1  }
0xce: {  	v0 =	vadd.f32 v2, v0;
	_ =	sdelay $0x1  }
0xcf: {  	vm0 =	vgt.f32 v0, $0.0e+00;
	v1 =	vmul.f32 $2.000000030e-01, v0;
	_ =	sdelay $0x1  }
0xd0: {  	v0 =	vsel vm0, v0, v1  }
0xd1: {  	v0 =	vmul.f32 $1.442695020e+00, v0;
	_ =	sdelay $0x1  }
0xd2: {  	(erf) = vpow2.f32 v0;
	_ =	sdelay $0x1  }
0xd3: {  	v0 =	vld [tilespmem:s28+$0xA040]  }
0xd4: {  	v1 =	vld [tilespmem:s28+$0x5040];
	_ =	sdelay $0x5  }
0xd5: {  	v2 =	vpop (erf)  }
0xd6: {  	[tilespmem:s28+$0xF030] =	vst v2;
	v2 =	vld [tilespmem:s28+$0xF040]  }
0xd7: {  	v1 =	vld.idx.msk [tilespmem:v1+s4+$0x0], $0xffff  }
0xd8: {  	v0 =	vld.idx.msk [tilespmem:v0+s13+$0x0], $0xffff;
	_ =	sdelay $0x5  }
0xd9: {  	v0 =	vadd.f32 v0, v1;
	_ =	sdelay $0x1  }
0xda: {  	v0 =	vadd.f32 v2, v0;
	_ =	sdelay $0x1  }
0xdb: {  	vm0 =	vgt.f32 v0, $0.0e+00;
	v1 =	vmul.f32 $2.000000030e-01, v0;
	_ =	sdelay $0x1  }
0xdc: {  	v0 =	vsel vm0, v0, v1  }
0xdd: {  	v0 =	vmul.f32 $1.442695020e+00, v0;
	_ =	sdelay $0x1  }
0xde: {  	(erf) = vpow2.f32 v0;
	_ =	sdelay $0x1  }
0xdf: {  	v0 =	vld [tilespmem:s28+$0xA050]  }
0xe0: {  	v1 =	vld [tilespmem:s28+$0x5050];
	_ =	sdelay $0x5  }
0xe1: {  	v2 =	vld [tilespmem:s28+$0xF050];
	v3 =	vpop (erf)  }
0xe2: {  	[tilespmem:s28+$0xF040] =	vst v3  }
0xe3: {  	v1 =	vld.idx.msk [tilespmem:v1+s4+$0x0], $0xffff  }
0xe4: {  	v0 =	vld.idx.msk [tilespmem:v0+s13+$0x0], $0xffff;
	_ =	sdelay $0x5  }
0xe5: {  	v0 =	vadd.f32 v0, v1;
	_ =	sdelay $0x1  }
0xe6: {  	v0 =	vadd.f32 v2, v0;
	_ =	sdelay $0x1  }
0xe7: {  	vm0 =	vgt.f32 v0, $0.0e+00;
	v1 =	vmul.f32 $2.000000030e-01, v0;
	_ =	sdelay $0x1  }
0xe8: {  	v0 =	vsel vm0, v0, v1  }
0xe9: {  	v0 =	vmul.f32 $1.442695020e+00, v0;
	_ =	sdelay $0x1  }
0xea: {  	(erf) = vpow2.f32 v0;
	_ =	sdelay $0x1  }
0xeb: {  	v0 =	vld [tilespmem:s28+$0xA060]  }
0xec: {  	v1 =	vld [tilespmem:s28+$0x5060];
	_ =	sdelay $0x4  }
0xed: {  	v2 =	vld [tilespmem:s28+$0xF060]  }
0xee: {  	v3 =	vpop (erf)  }
0xef: {  	[tilespmem:s28+$0xF050] =	vst v3  }
0xf0: {  	v1 =	vld.idx.msk [tilespmem:v1+s4+$0x0], $0xffff  }
0xf1: {  	v0 =	vld.idx.msk [tilespmem:v0+s13+$0x0], $0xffff;
	_ =	sdelay $0x5  }
0xf2: {  	v0 =	vadd.f32 v0, v1;
	_ =	sdelay $0x1  }
0xf3: {  	v0 =	vadd.f32 v2, v0;
	_ =	sdelay $0x1  }
0xf4: {  	vm0 =	vgt.f32 v0, $0.0e+00;
	v1 =	vmul.f32 $2.000000030e-01, v0;
	_ =	sdelay $0x1  }
0xf5: {  	v0 =	vsel vm0, v0, v1  }
0xf6: {  	v0 =	vmul.f32 $1.442695020e+00, v0;
	_ =	sdelay $0x1  }
0xf7: {  	(erf) = vpow2.f32 v0;
	_ =	sdelay $0x1  }
0xf8: {  	v0 =	vld [tilespmem:s28+$0xA070]  }
0xf9: {  	v1 =	vld [tilespmem:s28+$0x5070];
	_ =	sdelay $0x3  }
0xfa: {  	v2 =	vld [tilespmem:s28+$0xF070];
	_ =	sdelay $0x1  }
0xfb: {  	v3 =	vpop (erf)  }
0xfc: {  	[tilespmem:s28+$0xF060] =	vst v3  }
0xfd: {  	v1 =	vld.idx.msk [tilespmem:v1+s4+$0x0], $0xffff  }
0xfe: {  	v0 =	vld.idx.msk [tilespmem:v0+s13+$0x0], $0xffff;
	_ =	sdelay $0x5  }
0xff: {  	v0 =	vadd.f32 v0, v1;
	_ =	sdelay $0x1  }
0x100: {  	v0 =	vadd.f32 v2, v0;
	_ =	sdelay $0x1  }
0x101: {  	vm0 =	vgt.f32 v0, $0.0e+00;
	v1 =	vmul.f32 $2.000000030e-01, v0  }
.Ltmp0:
0x102: {  	(pc) =	sbr.rel @p1 .LBB2_2-.Ltmp0, $3  }
0x103: {  	v0 =	vsel vm0, v0, v1  }
0x104: {  	v0 =	vmul.f32 $1.442695020e+00, v0;
	_ =	sdelay $0x1  }
0x105: {  	(erf) = vpow2.f32 v0  }
0x106: {  	_ = 	snop  }
0x107: {  	s29 =	sshra.s32 s29, $0x2  }
0x108: {  	v0 =	vld [tilespmem:s29+$0x5000]  }
0x109: {  	v1 =	vld [tilespmem:s29+$0xA000];
	_ =	sdelay $0x4  }
0x10a: {  	v2 =	vpop (erf)  }
0x10b: {  	[tilespmem:s28+$0xF070] =	vst v2  }
0x10c: {  	v0 =	vld.idx.msk [tilespmem:v0+s4+$0x0], $0xffff  }
0x10d: {  	v1 =	vld.idx.msk [tilespmem:v1+s13+$0x0], $0xffff;
	_ =	sdelay $0x1  }
0x10e: {  	v2 =	vld [tilespmem:s29+$0xF000];
	_ =	sdelay $0x2  }
0x10f: {  	v0 =	vadd.f32 v1, v0;
	_ =	sdelay $0x1  }
0x110: {  	v0 =	vadd.f32 v2, v0;
	_ =	sdelay $0x1  }
0x111: {  	v1 =	vmul.f32 $2.000000030e-01, v0  }
0x112: {  	vm0 =	vgt.f32 v0, $0.0e+00  }
0x113: {  	v0 =	vsel vm0, v0, v1  }
0x114: {  	v0 =	vmul.f32 $1.442695020e+00, v0;
	_ =	sdelay $0x1  }
0x115: {  	(erf) = vpow2.f32 v0;
	_ =	sdelay $0x2  }
0x116: {  	v0 =	vld [tilespmem:s29+$0x5010]  }
0x117: {  	v1 =	vld [tilespmem:s29+$0xA010];
	_ =	sdelay $0x4  }
0x118: {  	v2 =	vpop (erf)  }
0x119: {  	[tilespmem:s29+$0xF000] =	vst v2  }
0x11a: {  	v0 =	vld.idx.msk [tilespmem:v0+s4+$0x0], $0xffff  }
0x11b: {  	v1 =	vld.idx.msk [tilespmem:v1+s13+$0x0], $0xffff;
	_ =	sdelay $0x1  }
0x11c: {  	v2 =	vld [tilespmem:s29+$0xF010];
	_ =	sdelay $0x2  }
0x11d: {  	v0 =	vadd.f32 v1, v0;
	_ =	sdelay $0x1  }
0x11e: {  	v0 =	vadd.f32 v2, v0;
	_ =	sdelay $0x1  }
0x11f: {  	v1 =	vmul.f32 $2.000000030e-01, v0  }
0x120: {  	vm9 =	vgt.f32 v0, $0.0e+00  }
0x121: {  	v0 =	vsel vm9, v0, v1  }
0x122: {  	v0 =	vmul.f32 $1.442695020e+00, v0;
	_ =	sdelay $0x1  }
0x123: {  	(erf) = vpow2.f32 v0;
	_ =	sdelay $0x2  }
0x124: {  	v0 =	vld [tilespmem:s29+$0x5020]  }
0x125: {  	v1 =	vld [tilespmem:s29+$0xA020];
	_ =	sdelay $0x4  }
0x126: {  	v2 =	vpop (erf)  }
0x127: {  	[tilespmem:s29+$0xF010] =	vst v2  }
0x128: {  	v0 =	vld.idx.msk [tilespmem:v0+s4+$0x0], $0xffff  }
0x129: {  	v1 =	vld.idx.msk [tilespmem:v1+s13+$0x0], $0xffff;
	_ =	sdelay $0x1  }
0x12a: {  	v2 =	vld [tilespmem:s29+$0xF020];
	_ =	sdelay $0x2  }
0x12b: {  	v0 =	vadd.f32 v1, v0;
	_ =	sdelay $0x1  }
0x12c: {  	v0 =	vadd.f32 v2, v0;
	_ =	sdelay $0x1  }
0x12d: {  	v1 =	vmul.f32 $2.000000030e-01, v0  }
0x12e: {  	vm10 =	vgt.f32 v0, $0.0e+00  }
0x12f: {  	v0 =	vsel vm10, v0, v1  }
0x130: {  	v0 =	vmul.f32 $1.442695020e+00, v0;
	_ =	sdelay $0x1  }
0x131: {  	(erf) = vpow2.f32 v0;
	_ =	sdelay $0x2  }
0x132: {  	v0 =	vld [tilespmem:s29+$0x5030]  }
0x133: {  	v1 =	vld [tilespmem:s29+$0xA030];
	_ =	sdelay $0x4  }
0x134: {  	v2 =	vpop (erf)  }
0x135: {  	[tilespmem:s29+$0xF020] =	vst v2  }
0x136: {  	v0 =	vld.idx.msk [tilespmem:v0+s4+$0x0], $0xffff  }
0x137: {  	v1 =	vld.idx.msk [tilespmem:v1+s13+$0x0], $0xffff;
	_ =	sdelay $0x1  }
0x138: {  	v2 =	vld [tilespmem:s29+$0xF030];
	_ =	sdelay $0x2  }
0x139: {  	v0 =	vadd.f32 v1, v0;
	_ =	sdelay $0x1  }
0x13a: {  	v0 =	vadd.f32 v2, v0;
	_ =	sdelay $0x1  }
0x13b: {  	v1 =	vmul.f32 $2.000000030e-01, v0  }
0x13c: {  	vm11 =	vgt.f32 v0, $0.0e+00  }
0x13d: {  	v0 =	vsel vm11, v0, v1  }
0x13e: {  	v0 =	vmul.f32 $1.442695020e+00, v0;
	_ =	sdelay $0x1  }
0x13f: {  	(erf) = vpow2.f32 v0;
	_ =	sdelay $0x2  }
0x140: {  	v0 =	vld [tilespmem:s29+$0x5040]  }
0x141: {  	v1 =	vld [tilespmem:s29+$0xA040];
	_ =	sdelay $0x4  }
0x142: {  	v2 =	vpop (erf)  }
0x143: {  	[tilespmem:s29+$0xF030] =	vst v2  }
0x144: {  	v0 =	vld.idx.msk [tilespmem:v0+s4+$0x0], $0xffff  }
0x145: {  	v1 =	vld.idx.msk [tilespmem:v1+s13+$0x0], $0xffff;
	_ =	sdelay $0x1  }
0x146: {  	v2 =	vld [tilespmem:s29+$0xF040];
	_ =	sdelay $0x2  }
0x147: {  	v0 =	vadd.f32 v1, v0;
	_ =	sdelay $0x1  }
0x148: {  	v0 =	vadd.f32 v2, v0;
	_ =	sdelay $0x1  }
0x149: {  	v1 =	vmul.f32 $2.000000030e-01, v0  }
0x14a: {  	vm12 =	vgt.f32 v0, $0.0e+00  }
0x14b: {  	v0 =	vsel vm12, v0, v1  }
0x14c: {  	v0 =	vmul.f32 $1.442695020e+00, v0;
	_ =	sdelay $0x1  }
0x14d: {  	(erf) = vpow2.f32 v0;
	_ =	sdelay $0x2  }
0x14e: {  	v0 =	vld [tilespmem:s29+$0x5050]  }
0x14f: {  	v1 =	vld [tilespmem:s29+$0xA050];
	_ =	sdelay $0x4  }
0x150: {  	v2 =	vpop (erf)  }
0x151: {  	[tilespmem:s29+$0xF040] =	vst v2  }
0x152: {  	v0 =	vld.idx.msk [tilespmem:v0+s4+$0x0], $0xffff  }
0x153: {  	v1 =	vld.idx.msk [tilespmem:v1+s13+$0x0], $0xffff;
	_ =	sdelay $0x1  }
0x154: {  	v2 =	vld [tilespmem:s29+$0xF050];
	_ =	sdelay $0x2  }
0x155: {  	v0 =	vadd.f32 v1, v0;
	_ =	sdelay $0x1  }
0x156: {  	v0 =	vadd.f32 v2, v0;
	_ =	sdelay $0x1  }
0x157: {  	v1 =	vmul.f32 $2.000000030e-01, v0  }
0x158: {  	vm13 =	vgt.f32 v0, $0.0e+00  }
0x159: {  	v0 =	vsel vm13, v0, v1  }
0x15a: {  	v0 =	vmul.f32 $1.442695020e+00, v0;
	_ =	sdelay $0x1  }
0x15b: {  	(erf) = vpow2.f32 v0;
	_ =	sdelay $0x2  }
0x15c: {  	v0 =	vld [tilespmem:s29+$0x5060]  }
0x15d: {  	v1 =	vld [tilespmem:s29+$0xA060];
	_ =	sdelay $0x4  }
0x15e: {  	v2 =	vpop (erf)  }
0x15f: {  	[tilespmem:s29+$0xF050] =	vst v2  }
0x160: {  	v0 =	vld.idx.msk [tilespmem:v0+s4+$0x0], $0xffff  }
0x161: {  	v1 =	vld.idx.msk [tilespmem:v1+s13+$0x0], $0xffff;
	_ =	sdelay $0x1  }
0x162: {  	v2 =	vld [tilespmem:s29+$0xF060];
	_ =	sdelay $0x2  }
0x163: {  	v0 =	vadd.f32 v1, v0;
	_ =	sdelay $0x1  }
0x164: {  	v0 =	vadd.f32 v2, v0;
	_ =	sdelay $0x1  }
0x165: {  	v1 =	vmul.f32 $2.000000030e-01, v0  }
0x166: {  	vm14 =	vgt.f32 v0, $0.0e+00  }
0x167: {  	v0 =	vsel vm14, v0, v1  }
0x168: {  	v0 =	vmul.f32 $1.442695020e+00, v0;
	_ =	sdelay $0x1  }
0x169: {  	(erf) = vpow2.f32 v0;
	_ =	sdelay $0x2  }
0x16a: {  	v0 =	vld [tilespmem:s29+$0x5070]  }
0x16b: {  	v1 =	vld [tilespmem:s29+$0xA070];
	_ =	sdelay $0x4  }
0x16c: {  	v2 =	vpop (erf)  }
0x16d: {  	[tilespmem:s29+$0xF060] =	vst v2  }
0x16e: {  	v0 =	vld.idx.msk [tilespmem:v0+s4+$0x0], $0xffff  }
0x16f: {  	v1 =	vld.idx.msk [tilespmem:v1+s13+$0x0], $0xffff;
	_ =	sdelay $0x1  }
0x170: {  	v2 =	vld [tilespmem:s29+$0xF070];
	_ =	sdelay $0x2  }
0x171: {  	v0 =	vadd.f32 v1, v0;
	_ =	sdelay $0x1  }
0x172: {  	v0 =	vadd.f32 v2, v0;
	_ =	sdelay $0x1  }
0x173: {  	v1 =	vmul.f32 $2.000000030e-01, v0  }
0x174: {  	vm15 =	vgt.f32 v0, $0.0e+00  }
0x175: {  	v0 =	vsel vm15, v0, v1  }
0x176: {  	v0 =	vmul.f32 $1.442695020e+00, v0;
	_ =	sdelay $0x1  }
0x177: {  	(erf) = vpow2.f32 v0;
	_ =	sdelay $0x8  }
0x178: {  	v0 =	vpop (erf)  }
0x179: {  	s28 =	simm.s32 $0x0;
	[tilespmem:s29+$0xF070] =	vst v0  }
0x17a: {  	[hbm4b:s9+s28] =	stream.linear.scatter [tilespmem:s18], [sflag:$0x3], $0x5000, $0x38;
	[tilespmem:$0x14480] =	vst v63  }
0x17b: {  	_ =	swait.ge [sflag:s12], $0x5000  }
0x17c: {  	p1 =	por $0x1, $0x1;
	[sflag:s12] =	ssyncset.done $0x0  }
0x17d: {  	s28 =	simm.s32 @!p1 $0x1;
	[sflag:s12] =	ssyncadd.s32 $0xFFFFB000  }
0x17e: {  	_ =	swait.ge @!p1 [sflag:s28], $0x80  }
0x17f: {  	[sflag:s28] =	ssyncset.done @!p1 $0x0  }
0x180: {  	s30 =	simm.s32 $0x0;
	[sflag:s28] =	ssyncadd.s32 @!p1 $0xFFFFFF80  }
0x181: {  	v0 =	vld [tilespmem:s30+$0x5000];
	_ =	sdelay $0x4  }
0x182: {  	[tilespmem:$0x14000] =	vst v0  }
0x183: {  	v0 =	vld [tilespmem:s30+$0xF000];
	_ =	sdelay $0x4  }
0x184: {  	[tilespmem:$0x14100] =	vst v0  }
0x185: {  	v0 =	vld [tilespmem:s30+$0x5010];
	_ =	sdelay $0x4  }
0x186: {  	[tilespmem:$0x14010] =	vst v0  }
0x187: {  	v0 =	vld [tilespmem:s30+$0xF010];
	_ =	sdelay $0x4  }
0x188: {  	[tilespmem:$0x14110] =	vst v0  }
0x189: {  	v0 =	vld [tilespmem:s30+$0x5020];
	_ =	sdelay $0x4  }
0x18a: {  	[tilespmem:$0x14020] =	vst v0  }
0x18b: {  	v0 =	vld [tilespmem:s30+$0xF020];
	_ =	sdelay $0x4  }
0x18c: {  	[tilespmem:$0x14120] =	vst v0  }
0x18d: {  	v0 =	vld [tilespmem:s30+$0x5030];
	_ =	sdelay $0x4  }
0x18e: {  	[tilespmem:$0x14030] =	vst v0  }
0x18f: {  	v0 =	vld [tilespmem:s30+$0xF030];
	_ =	sdelay $0x4  }
0x190: {  	[tilespmem:$0x14130] =	vst v0  }
0x191: {  	v0 =	vld [tilespmem:s30+$0x5040];
	_ =	sdelay $0x4  }
0x192: {  	[tilespmem:$0x14040] =	vst v0  }
0x193: {  	v0 =	vld [tilespmem:s30+$0xF040];
	_ =	sdelay $0x4  }
0x194: {  	[tilespmem:$0x14140] =	vst v0  }
0x195: {  	v0 =	vld [tilespmem:s30+$0x5050];
	_ =	sdelay $0x4  }
0x196: {  	[tilespmem:$0x14050] =	vst v0  }
0x197: {  	v0 =	vld [tilespmem:s30+$0xF050];
	_ =	sdelay $0x4  }
0x198: {  	[tilespmem:$0x14150] =	vst v0  }
0x199: {  	v0 =	vld [tilespmem:s30+$0x5060];
	_ =	sdelay $0x4  }
0x19a: {  	[tilespmem:$0x14060] =	vst v0  }
0x19b: {  	v0 =	vld [tilespmem:s30+$0xF060];
	_ =	sdelay $0x4  }
0x19c: {  	[tilespmem:$0x14160] =	vst v0  }
0x19d: {  	v0 =	vld [tilespmem:s30+$0x5070];
	_ =	sdelay $0x4  }
0x19e: {  	[tilespmem:$0x14070] =	vst v0  }
0x19f: {  	v0 =	vld [tilespmem:s30+$0xF070];
	_ =	sdelay $0x4  }
0x1a0: {  	s28 =	simm.s32 @!p1 $0x2;
	[tilespmem:$0x14170] =	vst v0  }
0x1a1: {  	[spmem:s3] =	stream.indirect.scatter.add.f32 [tilespmem:s21], [sflag:$0x1], $0x1, s20, s19, $0xb8;
	[tilespmem:$0x14480] =	vst v63  }
0x1a2: {  	_ =	swait.ge @!p1 [sflag:s28], $0x80  }
0x1a3: {  	[sflag:s28] =	ssyncset.done @!p1 $0x0  }
0x1a4: {  	[sflag:s28] =	ssyncadd.s32 @!p1 $0xFFFFFF80  }
0x1a5: {  	v0 =	vld [tilespmem:s30+$0x5080];
	_ =	sdelay $0x4  }
0x1a6: {  	[tilespmem:$0x14080] =	vst v0  }
0x1a7: {  	v0 =	vld [tilespmem:s30+$0xF080];
	_ =	sdelay $0x4  }
0x1a8: {  	[tilespmem:$0x14180] =	vst v0  }
0x1a9: {  	v0 =	vld [tilespmem:s30+$0x5090];
	_ =	sdelay $0x4  }
0x1aa: {  	[tilespmem:$0x14090] =	vst v0  }
0x1ab: {  	v0 =	vld [tilespmem:s30+$0xF090];
	_ =	sdelay $0x4  }
0x1ac: {  	[tilespmem:$0x14190] =	vst v0  }
0x1ad: {  	v0 =	vld [tilespmem:s30+$0x50A0];
	_ =	sdelay $0x4  }
0x1ae: {  	[tilespmem:$0x140A0] =	vst v0  }
0x1af: {  	v0 =	vld [tilespmem:s30+$0xF0A0];
	_ =	sdelay $0x4  }
0x1b0: {  	[tilespmem:$0x141A0] =	vst v0  }
0x1b1: {  	v0 =	vld [tilespmem:s30+$0x50B0];
	_ =	sdelay $0x4  }
0x1b2: {  	[tilespmem:$0x140B0] =	vst v0  }
0x1b3: {  	v0 =	vld [tilespmem:s30+$0xF0B0];
	_ =	sdelay $0x4  }
0x1b4: {  	[tilespmem:$0x141B0] =	vst v0  }
0x1b5: {  	v0 =	vld [tilespmem:s30+$0x50C0];
	_ =	sdelay $0x4  }
0x1b6: {  	[tilespmem:$0x140C0] =	vst v0  }
0x1b7: {  	v0 =	vld [tilespmem:s30+$0xF0C0];
	_ =	sdelay $0x4  }
0x1b8: {  	[tilespmem:$0x141C0] =	vst v0  }
0x1b9: {  	v0 =	vld [tilespmem:s30+$0x50D0];
	_ =	sdelay $0x4  }
0x1ba: {  	[tilespmem:$0x140D0] =	vst v0  }
0x1bb: {  	v0 =	vld [tilespmem:s30+$0xF0D0];
	_ =	sdelay $0x4  }
0x1bc: {  	[tilespmem:$0x141D0] =	vst v0  }
0x1bd: {  	v0 =	vld [tilespmem:s30+$0x50E0];
	_ =	sdelay $0x4  }
0x1be: {  	[tilespmem:$0x140E0] =	vst v0  }
0x1bf: {  	v0 =	vld [tilespmem:s30+$0xF0E0];
	_ =	sdelay $0x4  }
0x1c0: {  	[tilespmem:$0x141E0] =	vst v0  }
0x1c1: {  	v0 =	vld [tilespmem:s30+$0x50F0];
	_ =	sdelay $0x4  }
0x1c2: {  	[tilespmem:$0x140F0] =	vst v0  }
0x1c3: {  	v0 =	vld [tilespmem:s30+$0xF0F0];
	_ =	sdelay $0x3  }
0x1c4: {  	p2 =	por $0x0, $0x0;
	s29 =	simm.s32 $0x800;
	s28 =	simm.s32 $0x400  }
.LBB2_4:
0x1c5: {  	s30 =	simm.s32 @!p2 $0x1;
	[tilespmem:$0x141F0] =	vst v0;
	s31 =	smov.u32 s29;
	s29 =	sadd.s32 $0x400, s29  }
0x1c6: {  	[spmem:s3] =	stream.indirect.scatter.add.f32 [tilespmem:s23], [sflag:$0x2], $0x1, s22, s19, $0xb8;
	[tilespmem:$0x14480] =	vst v63  }
0x1c7: {  	p1 =	sne.s32 s29, $0x14000;
	_ =	swait.ge @!p2 [sflag:s30], $0x80  }
0x1c8: {  	[sflag:s30] =	ssyncset.done @!p2 $0x0  }
0x1c9: {  	[sflag:s30] =	ssyncadd.s32 @!p2 $0xFFFFFF80;
	s30 =	sshra.s32 s28, $0x2;
	s28 =	smov.u32 s31  }
0x1ca: {  	v0 =	vld [tilespmem:s30+$0x5000];
	_ =	sdelay $0x4  }
0x1cb: {  	[tilespmem:$0x14000] =	vst v0  }
0x1cc: {  	v0 =	vld [tilespmem:s30+$0xF000];
	_ =	sdelay $0x4  }
0x1cd: {  	[tilespmem:$0x14100] =	vst v0  }
0x1ce: {  	v0 =	vld [tilespmem:s30+$0x5010];
	_ =	sdelay $0x4  }
0x1cf: {  	[tilespmem:$0x14010] =	vst v0  }
0x1d0: {  	v0 =	vld [tilespmem:s30+$0xF010];
	_ =	sdelay $0x4  }
0x1d1: {  	[tilespmem:$0x14110] =	vst v0  }
0x1d2: {  	v0 =	vld [tilespmem:s30+$0x5020];
	_ =	sdelay $0x4  }
0x1d3: {  	[tilespmem:$0x14020] =	vst v0  }
0x1d4: {  	v0 =	vld [tilespmem:s30+$0xF020];
	_ =	sdelay $0x4  }
0x1d5: {  	[tilespmem:$0x14120] =	vst v0  }
0x1d6: {  	v0 =	vld [tilespmem:s30+$0x5030];
	_ =	sdelay $0x4  }
0x1d7: {  	[tilespmem:$0x14030] =	vst v0  }
0x1d8: {  	v0 =	vld [tilespmem:s30+$0xF030];
	_ =	sdelay $0x4  }
0x1d9: {  	[tilespmem:$0x14130] =	vst v0  }
0x1da: {  	v0 =	vld [tilespmem:s30+$0x5040];
	_ =	sdelay $0x4  }
0x1db: {  	[tilespmem:$0x14040] =	vst v0  }
0x1dc: {  	v0 =	vld [tilespmem:s30+$0xF040];
	_ =	sdelay $0x4  }
0x1dd: {  	[tilespmem:$0x14140] =	vst v0  }
0x1de: {  	v0 =	vld [tilespmem:s30+$0x5050];
	_ =	sdelay $0x4  }
0x1df: {  	[tilespmem:$0x14050] =	vst v0  }
0x1e0: {  	v0 =	vld [tilespmem:s30+$0xF050];
	_ =	sdelay $0x4  }
0x1e1: {  	[tilespmem:$0x14150] =	vst v0  }
0x1e2: {  	v0 =	vld [tilespmem:s30+$0x5060];
	_ =	sdelay $0x4  }
0x1e3: {  	[tilespmem:$0x14060] =	vst v0  }
0x1e4: {  	v0 =	vld [tilespmem:s30+$0xF060];
	_ =	sdelay $0x4  }
0x1e5: {  	[tilespmem:$0x14160] =	vst v0  }
0x1e6: {  	v0 =	vld [tilespmem:s30+$0x5070];
	_ =	sdelay $0x4  }
0x1e7: {  	[tilespmem:$0x14070] =	vst v0  }
0x1e8: {  	v0 =	vld [tilespmem:s30+$0xF070];
	_ =	sdelay $0x4  }
0x1e9: {  	s31 =	simm.s32 @!p2 $0x2;
	[tilespmem:$0x14170] =	vst v0  }
0x1ea: {  	[spmem:s3] =	stream.indirect.scatter.add.f32 [tilespmem:s21], [sflag:$0x1], $0x1, s20, s19, $0xb8;
	[tilespmem:$0x14480] =	vst v63  }
0x1eb: {  	_ =	swait.ge @!p2 [sflag:s31], $0x80  }
0x1ec: {  	[sflag:s31] =	ssyncset.done @!p2 $0x0  }
0x1ed: {  	[sflag:s31] =	ssyncadd.s32 @!p2 $0xFFFFFF80  }
0x1ee: {  	v0 =	vld [tilespmem:s30+$0x5080];
	_ =	sdelay $0x4  }
0x1ef: {  	[tilespmem:$0x14080] =	vst v0  }
0x1f0: {  	v0 =	vld [tilespmem:s30+$0xF080];
	_ =	sdelay $0x4  }
0x1f1: {  	[tilespmem:$0x14180] =	vst v0  }
0x1f2: {  	v0 =	vld [tilespmem:s30+$0x5090];
	_ =	sdelay $0x4  }
0x1f3: {  	[tilespmem:$0x14090] =	vst v0  }
0x1f4: {  	v0 =	vld [tilespmem:s30+$0xF090];
	_ =	sdelay $0x4  }
0x1f5: {  	[tilespmem:$0x14190] =	vst v0  }
0x1f6: {  	v0 =	vld [tilespmem:s30+$0x50A0];
	_ =	sdelay $0x4  }
0x1f7: {  	[tilespmem:$0x140A0] =	vst v0  }
0x1f8: {  	v0 =	vld [tilespmem:s30+$0xF0A0];
	_ =	sdelay $0x4  }
0x1f9: {  	[tilespmem:$0x141A0] =	vst v0  }
0x1fa: {  	v0 =	vld [tilespmem:s30+$0x50B0];
	_ =	sdelay $0x4  }
0x1fb: {  	[tilespmem:$0x140B0] =	vst v0  }
0x1fc: {  	v0 =	vld [tilespmem:s30+$0xF0B0];
	_ =	sdelay $0x4  }
0x1fd: {  	[tilespmem:$0x141B0] =	vst v0  }
0x1fe: {  	v0 =	vld [tilespmem:s30+$0x50C0];
	_ =	sdelay $0x4  }
0x1ff: {  	[tilespmem:$0x140C0] =	vst v0  }
0x200: {  	v0 =	vld [tilespmem:s30+$0xF0C0];
	_ =	sdelay $0x4  }
0x201: {  	[tilespmem:$0x141C0] =	vst v0  }
0x202: {  	v0 =	vld [tilespmem:s30+$0x50D0];
	_ =	sdelay $0x4  }
0x203: {  	[tilespmem:$0x140D0] =	vst v0  }
0x204: {  	v0 =	vld [tilespmem:s30+$0xF0D0];
	_ =	sdelay $0x4  }
0x205: {  	[tilespmem:$0x141D0] =	vst v0  }
0x206: {  	v0 =	vld [tilespmem:s30+$0x50E0];
	_ =	sdelay $0x4  }
0x207: {  	[tilespmem:$0x140E0] =	vst v0  }
0x208: {  	v0 =	vld [tilespmem:s30+$0xF0E0];
	_ =	sdelay $0x4  }
0x209: {  	[tilespmem:$0x141E0] =	vst v0  }
0x20a: {  	v0 =	vld [tilespmem:s30+$0x50F0];
	_ =	sdelay $0x4  }
0x20b: {  	[tilespmem:$0x140F0] =	vst v0  }
.Ltmp1:
0x20c: {  	v0 =	vld [tilespmem:s30+$0xF0F0];
	(pc) =	sbr.rel @p1 .LBB2_4-.Ltmp1, $2  }
0x20d: {  	_ =	sdelay $0x2  }
0x20e: {  	p2 =	seq.s32 s28, $0x0  }
0x20f: {  	s29 =	simm.s32 @!p2 $0x1;
	[tilespmem:$0x141F0] =	vst v0  }
0x210: {  	[spmem:s3] =	stream.indirect.scatter.add.f32 [tilespmem:s23], [sflag:$0x2], $0x1, s22, s19, $0xb8;
	[tilespmem:$0x14480] =	vst v63  }
0x211: {  	_ =	swait.ge @!p2 [sflag:s29], $0x80  }
0x212: {  	[sflag:s29] =	ssyncset.done @!p2 $0x0  }
0x213: {  	s28 =	sshra.s32 s28, $0x2;
	[sflag:s29] =	ssyncadd.s32 @!p2 $0xFFFFFF80  }
0x214: {  	v62 =	vld [tilespmem:s28+$0x5000];
	_ =	sdelay $0x4  }
0x215: {  	[tilespmem:$0x14000] =	vst v62  }
0x216: {  	v0 =	vld [tilespmem:s28+$0xF000];
	_ =	sdelay $0x4  }
0x217: {  	[tilespmem:$0x14100] =	vst v0  }
0x218: {  	v0 =	vld [tilespmem:s28+$0x5010];
	_ =	sdelay $0x4  }
0x219: {  	[tilespmem:$0x14010] =	vst v0  }
0x21a: {  	v0 =	vld [tilespmem:s28+$0xF010];
	_ =	sdelay $0x4  }
0x21b: {  	[tilespmem:$0x14110] =	vst v0  }
0x21c: {  	v0 =	vld [tilespmem:s28+$0x5020];
	_ =	sdelay $0x4  }
0x21d: {  	[tilespmem:$0x14020] =	vst v0  }
0x21e: {  	v0 =	vld [tilespmem:s28+$0xF020];
	_ =	sdelay $0x4  }
0x21f: {  	[tilespmem:$0x14120] =	vst v0  }
0x220: {  	v0 =	vld [tilespmem:s28+$0x5030];
	_ =	sdelay $0x4  }
0x221: {  	[tilespmem:$0x14030] =	vst v0  }
0x222: {  	v0 =	vld [tilespmem:s28+$0xF030];
	_ =	sdelay $0x4  }
0x223: {  	[tilespmem:$0x14130] =	vst v0  }
0x224: {  	v0 =	vld [tilespmem:s28+$0x5040];
	_ =	sdelay $0x4  }
0x225: {  	[tilespmem:$0x14040] =	vst v0  }
0x226: {  	v0 =	vld [tilespmem:s28+$0xF040];
	_ =	sdelay $0x4  }
0x227: {  	[tilespmem:$0x14140] =	vst v0  }
0x228: {  	v0 =	vld [tilespmem:s28+$0x5050];
	_ =	sdelay $0x4  }
0x229: {  	[tilespmem:$0x14050] =	vst v0  }
0x22a: {  	v0 =	vld [tilespmem:s28+$0xF050];
	_ =	sdelay $0x4  }
0x22b: {  	[tilespmem:$0x14150] =	vst v0  }
0x22c: {  	v0 =	vld [tilespmem:s28+$0x5060];
	_ =	sdelay $0x4  }
0x22d: {  	[tilespmem:$0x14060] =	vst v0  }
0x22e: {  	v0 =	vld [tilespmem:s28+$0xF060];
	_ =	sdelay $0x4  }
0x22f: {  	[tilespmem:$0x14160] =	vst v0  }
0x230: {  	v0 =	vld [tilespmem:s28+$0x5070];
	_ =	sdelay $0x4  }
0x231: {  	[tilespmem:$0x14070] =	vst v0  }
0x232: {  	v0 =	vld [tilespmem:s28+$0xF070];
	_ =	sdelay $0x4  }
0x233: {  	s29 =	simm.s32 @!p2 $0x2;
	[tilespmem:$0x14170] =	vst v0  }
0x234: {  	[spmem:s3] =	stream.indirect.scatter.add.f32 [tilespmem:s21], [sflag:$0x1], $0x1, s20, s19, $0xb8;
	[tilespmem:$0x14480] =	vst v63  }
0x235: {  	_ =	swait.ge @!p2 [sflag:s29], $0x80  }
0x236: {  	[sflag:s29] =	ssyncset.done @!p2 $0x0  }
0x237: {  	[sflag:s29] =	ssyncadd.s32 @!p2 $0xFFFFFF80  }
0x238: {  	v63 =	vld [tilespmem:s28+$0x5080];
	_ =	sdelay $0x4  }
0x239: {  	[tilespmem:$0x14080] =	vst v63  }
0x23a: {  	v0 =	vld [tilespmem:s28+$0xF080];
	_ =	sdelay $0x4  }
0x23b: {  	[tilespmem:$0x14180] =	vst v0  }
0x23c: {  	v0 =	vld [tilespmem:s28+$0x5090];
	_ =	sdelay $0x4  }
0x23d: {  	[tilespmem:$0x14090] =	vst v0  }
0x23e: {  	v0 =	vld [tilespmem:s28+$0xF090];
	_ =	sdelay $0x4  }
0x23f: {  	[tilespmem:$0x14190] =	vst v0  }
0x240: {  	v0 =	vld [tilespmem:s28+$0x50A0];
	_ =	sdelay $0x4  }
0x241: {  	[tilespmem:$0x140A0] =	vst v0  }
0x242: {  	v0 =	vld [tilespmem:s28+$0xF0A0];
	_ =	sdelay $0x4  }
0x243: {  	[tilespmem:$0x141A0] =	vst v0  }
0x244: {  	v0 =	vld [tilespmem:s28+$0x50B0];
	_ =	sdelay $0x4  }
0x245: {  	[tilespmem:$0x140B0] =	vst v0  }
0x246: {  	v0 =	vld [tilespmem:s28+$0xF0B0];
	_ =	sdelay $0x4  }
0x247: {  	[tilespmem:$0x141B0] =	vst v0  }
0x248: {  	v0 =	vld [tilespmem:s28+$0x50C0];
	_ =	sdelay $0x4  }
0x249: {  	[tilespmem:$0x140C0] =	vst v0  }
0x24a: {  	v0 =	vld [tilespmem:s28+$0xF0C0];
	_ =	sdelay $0x4  }
0x24b: {  	[tilespmem:$0x141C0] =	vst v0  }
0x24c: {  	v0 =	vld [tilespmem:s28+$0x50D0];
	_ =	sdelay $0x4  }
0x24d: {  	[tilespmem:$0x140D0] =	vst v0  }
0x24e: {  	v0 =	vld [tilespmem:s28+$0xF0D0];
	_ =	sdelay $0x4  }
0x24f: {  	[tilespmem:$0x141D0] =	vst v0  }
0x250: {  	v0 =	vld [tilespmem:s28+$0x50E0];
	_ =	sdelay $0x4  }
0x251: {  	[tilespmem:$0x140E0] =	vst v0  }
0x252: {  	v0 =	vld [tilespmem:s28+$0xF0E0];
	_ =	sdelay $0x4  }
0x253: {  	[tilespmem:$0x141E0] =	vst v0  }
0x254: {  	v0 =	vld [tilespmem:s28+$0x50F0];
	_ =	sdelay $0x4  }
0x255: {  	[tilespmem:$0x140F0] =	vst v0  }
0x256: {  	v0 =	vld [tilespmem:s28+$0xF0F0];
	_ =	sdelay $0x4  }
0x257: {  	[tilespmem:$0x141F0] =	vst v0  }
0x258: {  	[spmem:s3] =	stream.indirect.scatter.add.f32 [tilespmem:s23], [sflag:$0x2], $0x1, s22, s19, $0xb8;
	[tilespmem:$0x14480] =	vst v63  }
0x259: {  	_ =	swait.ge [sflag:s24], $0x80  }
0x25a: {  	[sflag:s24] =	ssyncset.done $0x0  }
0x25b: {  	[sflag:s24] =	ssyncadd.s32 $0xFFFFFF80  }
0x25c: {  	_ =	swait.ge [sflag:s25], $0x80  }
0x25d: {  	[sflag:s25] =	ssyncset.done $0x0  }
0x25e: {  	s26 =	sadd.s32 $0x1, s26;
	[sflag:s25] =	ssyncadd.s32 $0xFFFFFF80  }
0x25f: {  	p1 =	sne.s32 s26, s11;
	s28 =	sshrl.u32 @!p0 s3, $0x3;
	[bflag:$0x0] =	sbarrier.arrive $0xFFFF  }
0x260: {  	[hbm:s10], [sflag:s14] =	dma.local @!p0 [spmem:s28], $0x500  }
.Ltmp2:
0x261: {  	_ = 	snop;
	(pc) =	sbr.rel @p1 .LBB2_1-.Ltmp2, $4  }
0x262: {  	s28 =	simm.s32 @!p0 $0x3  }
0x263: {  	_ =	swait.ge @!p0 [sflag:s28], $0x500  }
0x264: {  	[sflag:s28] =	ssyncset.done @!p0 $0x0  }
0x265: {  	[sflag:s28] =	ssyncadd.s32 @!p0 $0xFFFFFB00  }
0x266: {  	_ =	sfence.sel $0x180000  }
0x267: {  	[bflag:$0x0] =	sbarrier.arrive $0xFFFF  }
0x268: {  	_ =	strace $0x90000047  }
0x269: {  	s0 =	sadd.s32 @!p0 $0x100000, s1;
	[bflag:$0x2] =	sbarrier.arrive $0xFFFF  }
0x26a: {  	[sflag:s0] =	ssyncadd.tile.s32 @!p0 $0x1;
	_ =	shalt  }
.Lfunc_end2:
_tile_overlayer_lowered:
.L_overlay_start_2:
0x26b: {  	(tag) =	ssettag $0x2  }
0x26c: {  	s0 =	rddreg [dreg:$0x0];
	s2 =	stileid.u32  }
0x26d: {  	s1 =	rddreg [dreg:$0x1];
	p0 =	sne.s32 s2, $0x0  }
0x26e: {  	s3 =	rddreg [dreg:$0x2];
	[bflag:$0x3] =	sbarrier.arrive $0xFFFF;
	s2 =	simm.s32 @!p0 $0x1C03  }
0x26f: {  	[timem:s3], [sflag:s2] =	dma.local @!p0 [hbm:s0], s1  }
0x270: {  	s0 =	simm.s32 @!p0 $0x3  }
0x271: {  	_ =	swait.ge @!p0 [sflag:s0], s1  }
0x272: {  	s1 =	ssub.s32 @!p0 $0x0, s1;
	[sflag:s0] =	ssyncset.done @!p0 $0x0  }
0x273: {  	[sflag:s0] =	ssyncadd.s32 @!p0 s1  }
0x274: {  	[bflag:$0x3] =	sbarrier.arrive $0xFFFF  }
0x275: {  	_ =	shalt  }

</sc_bundles>
